<compile_context>
chip_gen: v7x
topology: tpu7x:2x2x1
jax: 0.10.2.dev20260603
libtpu: 0.0.44.dev20260713+nightly
codegen_flags: <defaults>
</compile_context>

<pallas_src>
import functools

import jax
import jax.numpy as jnp
from jax import lax
from jax.experimental import pallas as pl
from jax.experimental.pallas import tpu as pltpu
from jax.experimental.pallas import tpu_sc as plsc

_N_ATOMS = 1048576
_N_TYPES = 100
_N_STRUCT = 16384
_LANES = 16
_NUM_CORES = 2
_NUM_SUBCORES = 16
_NW = _NUM_CORES * _NUM_SUBCORES
_CHUNK = _N_ATOMS // _NW
_BLOCKS = _CHUNK // _LANES
_PIPE = 8


def _make_stage1():
    mesh = plsc.VectorSubcoreMesh(core_axis_name="c", subcore_axis_name="s")

    @functools.partial(
        pl.kernel,
        out_type=jax.ShapeDtypeStruct((_NW, _N_STRUCT), jnp.float32),
        mesh=mesh,
        scratch_types=[
            pltpu.VMEM((1, _N_TYPES), jnp.float32),
            pltpu.VMEM((_CHUNK,), jnp.int32),
            pltpu.VMEM((_CHUNK,), jnp.int32),
            pltpu.VMEM((_N_STRUCT,), jnp.float32),
            pltpu.SemaphoreType.DMA,
            pltpu.SemaphoreType.DMA((_PIPE,)),
        ],
        compiler_params=pltpu.CompilerParams(needs_layout_passes=False),
    )
    def stage1(w_hbm, t_hbm, s_hbm, part_hbm, w_v, t_v, s_v, d_v, sem, csem):
        wid = lax.axis_index("s") * _NUM_CORES + lax.axis_index("c")
        base = wid * _CHUNK
        sub = _CHUNK // _PIPE

        def _issue(j):
            tj = pltpu.async_copy(
                t_hbm.at[pl.ds(base + j * sub, sub)],
                t_v.at[pl.ds(j * sub, sub)], csem.at[j])
            sj = pltpu.async_copy(
                s_hbm.at[pl.ds(base + j * sub, sub)],
                s_v.at[pl.ds(j * sub, sub)], csem.at[j])
            return tj, sj

        cp_w = pltpu.async_copy(w_hbm, w_v, sem)
        cp0 = _issue(0)

        zeros = jnp.zeros((_LANES,), jnp.float32)

        with jax.named_scope("zero_acc"):
            @pl.loop(0, _N_STRUCT // _LANES, unroll=8)
            def _zero(i):
                d_v[pl.ds(i * _LANES, _LANES)] = zeros

        with jax.named_scope("dma_wait"):
            cp_w.wait()

        iota = lax.iota(jnp.int32, _LANES)
        shift_idx = jnp.minimum(iota + 1, _LANES - 1)
        last = iota == (_LANES - 1)
        zero_i = jnp.zeros((_LANES,), jnp.int32)
        dnums = lax.GatherDimensionNumbers(
            offset_dims=(), collapsed_slice_dims=(0,), start_index_map=(0,))

        def _shift_up(v):
            return lax.gather(
                v, shift_idx[:, None], dnums, slice_sizes=(1,),
                mode=lax.GatherScatterMode.PROMISE_IN_BOUNDS)

        def _block(b):
            off = pl.multiple_of(b * _LANES, _LANES)
            t = t_v[pl.ds(off, _LANES)]
            s = s_v[pl.ds(off, _LANES)]
            w = plsc.load_gather(w_v, [zero_i, t])
            c = plsc.cumsum(w)
            s_next = _shift_up(s)
            run_end = s != s_next
            m_end = run_end | last
            plsc.addupdate_scatter(d_v, [s], c, mask=m_end)
            plsc.addupdate_scatter(d_v, [s_next], -c, mask=run_end)

        sub_blocks = _BLOCKS // _PIPE
        cp = cp0
        for j in range(_PIPE):
            with jax.named_scope(f"wait{j}"):
                cp[0].wait()
                cp[1].wait()
            if j + 1 < _PIPE:
                cp = _issue(j + 1)
            with jax.named_scope(f"main{j}"):
                plsc.parallel_loop(j * sub_blocks, (j + 1) * sub_blocks,
                                   unroll=8)(_block)

        with jax.named_scope("out_dma"):
            pltpu.sync_copy(d_v, part_hbm.at[wid])

    return stage1


def _reduce_body(p_ref, o_ref):
    o_ref[...] = jnp.sum(p_ref[...], axis=0)


_stage2 = pl.pallas_call(
    _reduce_body,
    out_shape=jax.ShapeDtypeStruct((_N_STRUCT,), jnp.float32),
)

_stage1 = _make_stage1()


@jax.jit
def _impl(weights, types, segment_ids):
    parts = _stage1(weights.astype(jnp.float32), types.astype(jnp.int32),
                    segment_ids.astype(jnp.int32))
    return _stage2(parts).reshape(_N_STRUCT, 1)


def kernel(weights, types, segment_ids):
    return _impl(weights, types, segment_ids)

# --- scband reference (transcript-rebuilt; emitter-appended) ---
"""Pipeline reference for scband-composition-model-28879360099091 (READ-ONLY COPY).

The authoritative reference and input builder live on the scoring server;
editing this copy changes nothing except your own understanding.
"""

import jax, jax.numpy as jnp
import numpy as np

N_ATOMS = 1048576
N_TYPES = 100
N_STRUCTURES = 16384
N_TARGETS = 1


def setup_inputs(seed: int = 0) -> dict:
    key = jax.random.key(seed)
    k1, k2, k3 = jax.random.split(key, 3)
    # learned/fitted composition weights buffer: [n_targets, n_atomic_types]
    weights = jax.random.normal(k1, (N_TARGETS, N_TYPES), dtype=jnp.float32)
    # per-atom atomic-type index (already mapped into the sorted atomic_types order)
    types = jax.random.randint(k2, (N_ATOMS,), 0, N_TYPES)
    # per-atom structure id (atoms of the same system are contiguous), sorted
    segment_ids = jnp.sort(jax.random.randint(k3, (N_ATOMS,), 0, N_STRUCTURES))
    return {"weights": weights, "types": types, "segment_ids": segment_ids}


def reference(weights, types, segment_ids):
    # CompositionModel.forward: for each system, prediction = sum over its atoms of
    # weights[target_index, type_index(atom)].  This is an embedding lookup over the
    # tiny per-type weight table followed by a per-structure segment-sum.
    per_atom = jnp.take(weights, types, axis=1)            # [n_targets, n_atoms]
    per_atom = jnp.transpose(per_atom)                     # [n_atoms, n_targets]
    per_structure = jax.ops.segment_sum(
        per_atom, segment_ids, num_segments=N_STRUCTURES
    )                                                      # [n_structures, n_targets]
    return per_structure

if __name__ == "__main__":
    import jax
    _d = setup_inputs()
    print(jax.jit(kernel)(*tuple(_d.values())))

</pallas_src>

<mosaic_0001>
#map = affine_map<(d0, d1) -> (0, 0)>
#map1 = affine_map<(d0, d1) -> (0)>
module attributes {stable_mosaic.version = 14 : i64} {
  func.func @stage1(%arg0: i32, %arg1: i32, %arg2: memref<1x100xf32, #tpu.memory_space<hbm>>, %arg3: memref<1048576xi32, #tpu.memory_space<hbm>>, %arg4: memref<1048576xi32, #tpu.memory_space<hbm>>, %arg5: memref<32x16384xf32, #tpu.memory_space<hbm>>, %arg6: memref<1x100xf32, #tpu.memory_space<vmem>>, %arg7: memref<32768xi32, #tpu.memory_space<vmem>>, %arg8: memref<32768xi32, #tpu.memory_space<vmem>>, %arg9: memref<16384xf32, #tpu.memory_space<vmem>>, %arg10: memref<!tpu.dma_semaphore, #tpu.memory_space<semaphore_mem>>, %arg11: memref<8x!tpu.dma_semaphore, #tpu.memory_space<semaphore_mem>>) attributes {dimension_semantics = [#tpu.dimension_semantics<core_parallel>, #tpu.dimension_semantics<subcore_parallel>], iteration_bounds = array<i64: 2, 16>, scalar_prefetch = 0 : i64, scratch_operands = 6 : i64, tpu.core_type = #tpu.core_type<sc_vector_subcore>, window_params = [{transform_indices = #map}, {transform_indices = #map1}, {transform_indices = #map1}, {transform_indices = #map}]} {
    %mul3A = arith.constant 2 : i32
    %mul3A_0 = arith.muli %arg1, %mul3A : i32
    %add3A = arith.addi %mul3A_0, %arg0 : i32
    %mul3A_1 = arith.constant 32768 : i32
    %mul3A_2 = arith.muli %add3A, %mul3A_1 : i32
    tpu.enqueue_dma source(%arg2 : memref<1x100xf32, #tpu.memory_space<hbm>>) target(%arg6 : memref<1x100xf32, #tpu.memory_space<vmem>>) target_semaphore(%arg10 : memref<!tpu.dma_semaphore, #tpu.memory_space<semaphore_mem>>)
    %add3A_3 = arith.constant 0 : i32
    %add3A_4 = arith.addi %mul3A_2, %add3A_3 : i32
    %dma_start3A = arith.constant 0 : i32
    %dma_start3A_5 = arith.constant 0 : i32
    %dma_start3A_6 = tpu.memref_slice %arg7[%dma_start3A_5] : memref<32768xi32, #tpu.memory_space<vmem>> -> memref<4096xi32, #tpu.memory_space<vmem>>
    %dma_start3A_7 = tpu.memref_slice %arg3[%add3A_4] : memref<1048576xi32, #tpu.memory_space<hbm>> -> memref<4096xi32, #tpu.memory_space<hbm>>
    %dma_start3A_8 = tpu.memref_slice %arg11[%dma_start3A] : memref<8x!tpu.dma_semaphore, #tpu.memory_space<semaphore_mem>> -> memref<1x!tpu.dma_semaphore, #tpu.memory_space<semaphore_mem>>
    %dma_start3A_9 = tpu.memref_squeeze %dma_start3A_8 : memref<1x!tpu.dma_semaphore, #tpu.memory_space<semaphore_mem>> -> memref<!tpu.dma_semaphore, #tpu.memory_space<semaphore_mem>>
    %dma_start3A_10 = arith.constant 0 : i32
    %dma_start3A_11 = tpu.memref_slice %arg7[%dma_start3A_10] : memref<32768xi32, #tpu.memory_space<vmem>> -> memref<4096xi32, #tpu.memory_space<vmem>>
    %dma_start3A_12 = tpu.memref_slice %arg3[%add3A_4] : memref<1048576xi32, #tpu.memory_space<hbm>> -> memref<4096xi32, #tpu.memory_space<hbm>>
    tpu.enqueue_dma source(%dma_start3A_12 : memref<4096xi32, #tpu.memory_space<hbm>>) target(%dma_start3A_11 : memref<4096xi32, #tpu.memory_space<vmem>>) target_semaphore(%dma_start3A_9 : memref<!tpu.dma_semaphore, #tpu.memory_space<semaphore_mem>>)
    %add3A_13 = arith.constant 0 : i32
    %add3A_14 = arith.addi %mul3A_2, %add3A_13 : i32
    %dma_start3A_15 = arith.constant 0 : i32
    %dma_start3A_16 = arith.constant 0 : i32
    %dma_start3A_17 = tpu.memref_slice %arg8[%dma_start3A_16] : memref<32768xi32, #tpu.memory_space<vmem>> -> memref<4096xi32, #tpu.memory_space<vmem>>
    %dma_start3A_18 = tpu.memref_slice %arg4[%add3A_14] : memref<1048576xi32, #tpu.memory_space<hbm>> -> memref<4096xi32, #tpu.memory_space<hbm>>
    %dma_start3A_19 = tpu.memref_slice %arg11[%dma_start3A_15] : memref<8x!tpu.dma_semaphore, #tpu.memory_space<semaphore_mem>> -> memref<1x!tpu.dma_semaphore, #tpu.memory_space<semaphore_mem>>
    %dma_start3A_20 = tpu.memref_squeeze %dma_start3A_19 : memref<1x!tpu.dma_semaphore, #tpu.memory_space<semaphore_mem>> -> memref<!tpu.dma_semaphore, #tpu.memory_space<semaphore_mem>>
    %dma_start3A_21 = arith.constant 0 : i32
    %dma_start3A_22 = tpu.memref_slice %arg8[%dma_start3A_21] : memref<32768xi32, #tpu.memory_space<vmem>> -> memref<4096xi32, #tpu.memory_space<vmem>>
    %dma_start3A_23 = tpu.memref_slice %arg4[%add3A_14] : memref<1048576xi32, #tpu.memory_space<hbm>> -> memref<4096xi32, #tpu.memory_space<hbm>>
    tpu.enqueue_dma source(%dma_start3A_23 : memref<4096xi32, #tpu.memory_space<hbm>>) target(%dma_start3A_22 : memref<4096xi32, #tpu.memory_space<vmem>>) target_semaphore(%dma_start3A_20 : memref<!tpu.dma_semaphore, #tpu.memory_space<semaphore_mem>>)
    %broadcast_in_dim3A = arith.constant 0.000000e+00 : f32
    %broadcast_in_dim3A_24 = vector.broadcast %broadcast_in_dim3A : f32 to vector<16xf32>
    "tpu.trace_start"() <{level = 10 : i32, message = "zero_acc"}> : () -> ()
    %scan3A = arith.constant 0 : i32
    %scan3A_25 = arith.constant 1024 : i32
    %scan3A_26 = arith.addi %scan3A, %scan3A_25 : i32
    %scan3A_27 = arith.constant 8 : i32
    scf.for %scan3A_358 = %scan3A to %scan3A_26 step %scan3A_27  : i32 {
      %mul3A_359 = arith.constant 1 : i32
      %mul3A_360 = arith.muli %scan3A_358, %mul3A_359 : i32
      %add3A_361 = arith.constant 0 : i32
      %add3A_362 = arith.addi %add3A_361, %mul3A_360 : i32
      %mul3A_363 = arith.constant 16 : i32
      %mul3A_364 = arith.muli %add3A_362, %mul3A_363 : i32
      %swap3A = arith.index_cast %mul3A_364 : i32 to index
      %swap3A_365 = tpu.vector_load %arg9[%swap3A] {strides = array<i32>} : memref<16384xf32, #tpu.memory_space<vmem>>, vector<16xf32>,
      tpu.vector_store %arg9[%swap3A], %broadcast_in_dim3A_24 {strides = array<i32>} : memref<16384xf32, #tpu.memory_space<vmem>>, vector<16xf32>,
      %scan3A_366 = arith.constant 1 : i32
      %scan3A_367 = arith.addi %scan3A_358, %scan3A_366 : i32
      %mul3A_368 = arith.constant 1 : i32
      %mul3A_369 = arith.muli %scan3A_367, %mul3A_368 : i32
      %add3A_370 = arith.constant 0 : i32
      %add3A_371 = arith.addi %add3A_370, %mul3A_369 : i32
      %mul3A_372 = arith.constant 16 : i32
      %mul3A_373 = arith.muli %add3A_371, %mul3A_372 : i32
      %swap3A_374 = arith.index_cast %mul3A_373 : i32 to index
      %swap3A_375 = tpu.vector_load %arg9[%swap3A_374] {strides = array<i32>} : memref<16384xf32, #tpu.memory_space<vmem>>, vector<16xf32>,
      tpu.vector_store %arg9[%swap3A_374], %broadcast_in_dim3A_24 {strides = array<i32>} : memref<16384xf32, #tpu.memory_space<vmem>>, vector<16xf32>,
      %scan3A_376 = arith.constant 2 : i32
      %scan3A_377 = arith.addi %scan3A_358, %scan3A_376 : i32
      %mul3A_378 = arith.constant 1 : i32
      %mul3A_379 = arith.muli %scan3A_377, %mul3A_378 : i32
      %add3A_380 = arith.constant 0 : i32
      %add3A_381 = arith.addi %add3A_380, %mul3A_379 : i32
      %mul3A_382 = arith.constant 16 : i32
      %mul3A_383 = arith.muli %add3A_381, %mul3A_382 : i32
      %swap3A_384 = arith.index_cast %mul3A_383 : i32 to index
      %swap3A_385 = tpu.vector_load %arg9[%swap3A_384] {strides = array<i32>} : memref<16384xf32, #tpu.memory_space<vmem>>, vector<16xf32>,
      tpu.vector_store %arg9[%swap3A_384], %broadcast_in_dim3A_24 {strides = array<i32>} : memref<16384xf32, #tpu.memory_space<vmem>>, vector<16xf32>,
      %scan3A_386 = arith.constant 3 : i32
      %scan3A_387 = arith.addi %scan3A_358, %scan3A_386 : i32
      %mul3A_388 = arith.constant 1 : i32
      %mul3A_389 = arith.muli %scan3A_387, %mul3A_388 : i32
      %add3A_390 = arith.constant 0 : i32
      %add3A_391 = arith.addi %add3A_390, %mul3A_389 : i32
      %mul3A_392 = arith.constant 16 : i32
      %mul3A_393 = arith.muli %add3A_391, %mul3A_392 : i32
      %swap3A_394 = arith.index_cast %mul3A_393 : i32 to index
      %swap3A_395 = tpu.vector_load %arg9[%swap3A_394] {strides = array<i32>} : memref<16384xf32, #tpu.memory_space<vmem>>, vector<16xf32>,
      tpu.vector_store %arg9[%swap3A_394], %broadcast_in_dim3A_24 {strides = array<i32>} : memref<16384xf32, #tpu.memory_space<vmem>>, vector<16xf32>,
      %scan3A_396 = arith.constant 4 : i32
      %scan3A_397 = arith.addi %scan3A_358, %scan3A_396 : i32
      %mul3A_398 = arith.constant 1 : i32
      %mul3A_399 = arith.muli %scan3A_397, %mul3A_398 : i32
      %add3A_400 = arith.constant 0 : i32
      %add3A_401 = arith.addi %add3A_400, %mul3A_399 : i32
      %mul3A_402 = arith.constant 16 : i32
      %mul3A_403 = arith.muli %add3A_401, %mul3A_402 : i32
      %swap3A_404 = arith.index_cast %mul3A_403 : i32 to index
      %swap3A_405 = tpu.vector_load %arg9[%swap3A_404] {strides = array<i32>} : memref<16384xf32, #tpu.memory_space<vmem>>, vector<16xf32>,
      tpu.vector_store %arg9[%swap3A_404], %broadcast_in_dim3A_24 {strides = array<i32>} : memref<16384xf32, #tpu.memory_space<vmem>>, vector<16xf32>,
      %scan3A_406 = arith.constant 5 : i32
      %scan3A_407 = arith.addi %scan3A_358, %scan3A_406 : i32
      %mul3A_408 = arith.constant 1 : i32
      %mul3A_409 = arith.muli %scan3A_407, %mul3A_408 : i32
      %add3A_410 = arith.constant 0 : i32
      %add3A_411 = arith.addi %add3A_410, %mul3A_409 : i32
      %mul3A_412 = arith.constant 16 : i32
      %mul3A_413 = arith.muli %add3A_411, %mul3A_412 : i32
      %swap3A_414 = arith.index_cast %mul3A_413 : i32 to index
      %swap3A_415 = tpu.vector_load %arg9[%swap3A_414] {strides = array<i32>} : memref<16384xf32, #tpu.memory_space<vmem>>, vector<16xf32>,
      tpu.vector_store %arg9[%swap3A_414], %broadcast_in_dim3A_24 {strides = array<i32>} : memref<16384xf32, #tpu.memory_space<vmem>>, vector<16xf32>,
      %scan3A_416 = arith.constant 6 : i32
      %scan3A_417 = arith.addi %scan3A_358, %scan3A_416 : i32
      %mul3A_418 = arith.constant 1 : i32
      %mul3A_419 = arith.muli %scan3A_417, %mul3A_418 : i32
      %add3A_420 = arith.constant 0 : i32
      %add3A_421 = arith.addi %add3A_420, %mul3A_419 : i32
      %mul3A_422 = arith.constant 16 : i32
      %mul3A_423 = arith.muli %add3A_421, %mul3A_422 : i32
      %swap3A_424 = arith.index_cast %mul3A_423 : i32 to index
      %swap3A_425 = tpu.vector_load %arg9[%swap3A_424] {strides = array<i32>} : memref<16384xf32, #tpu.memory_space<vmem>>, vector<16xf32>,
      tpu.vector_store %arg9[%swap3A_424], %broadcast_in_dim3A_24 {strides = array<i32>} : memref<16384xf32, #tpu.memory_space<vmem>>, vector<16xf32>,
      %scan3A_426 = arith.constant 7 : i32
      %scan3A_427 = arith.addi %scan3A_358, %scan3A_426 : i32
      %mul3A_428 = arith.constant 1 : i32
      %mul3A_429 = arith.muli %scan3A_427, %mul3A_428 : i32
      %add3A_430 = arith.constant 0 : i32
      %add3A_431 = arith.addi %add3A_430, %mul3A_429 : i32
      %mul3A_432 = arith.constant 16 : i32
      %mul3A_433 = arith.muli %add3A_431, %mul3A_432 : i32
      %swap3A_434 = arith.index_cast %mul3A_433 : i32 to index
      %swap3A_435 = tpu.vector_load %arg9[%swap3A_434] {strides = array<i32>} : memref<16384xf32, #tpu.memory_space<vmem>>, vector<16xf32>,
      tpu.vector_store %arg9[%swap3A_434], %broadcast_in_dim3A_24 {strides = array<i32>} : memref<16384xf32, #tpu.memory_space<vmem>>, vector<16xf32>,
    }
    %scan3A_28 = arith.constant 1024 : i32
    "tpu.trace_stop"() : () -> ()
    "tpu.trace_start"() <{level = 10 : i32, message = "dma_wait"}> : () -> ()
    tpu.wait_dma2 semaphore(%arg10 : memref<!tpu.dma_semaphore, #tpu.memory_space<semaphore_mem>>) src(%arg2 : memref<1x100xf32, #tpu.memory_space<hbm>>) dst(%arg6 : memref<1x100xf32, #tpu.memory_space<vmem>>)
    "tpu.trace_stop"() : () -> ()
    %iota3A = tpu.iota {dimensions = array<i32: 0>} : vector<16xi32>
    %add3A_29 = arith.constant 1 : i32
    %add3A_30 = vector.broadcast %add3A_29 : i32 to vector<16xi32>
    %add3A_31 = arith.addi %iota3A, %add3A_30 : vector<16xi32>
    %min3A = arith.constant 15 : i32
    %min3A_32 = vector.broadcast %min3A : i32 to vector<16xi32>
    %min3A_33 = arith.minsi %add3A_31, %min3A_32 : vector<16xi32>
    %eq3A = arith.constant 15 : i32
    %eq3A_34 = vector.broadcast %eq3A : i32 to vector<16xi32>
    %eq3A_35 = arith.cmpi eq, %iota3A, %eq3A_34 : vector<16xi32>
    %broadcast_in_dim3A_36 = arith.constant 0 : i32
    %broadcast_in_dim3A_37 = vector.broadcast %broadcast_in_dim3A_36 : i32 to vector<16xi32>
    %dma_wait3A = arith.constant 0 : i32
    "tpu.trace_start"() <{level = 10 : i32, message = "wait0"}> : () -> ()
    %dma_wait3A_38 = arith.constant 0 : i32
    %dma_wait3A_39 = tpu.memref_slice %arg7[%dma_wait3A_38] : memref<32768xi32, #tpu.memory_space<vmem>> -> memref<4096xi32, #tpu.memory_space<vmem>>
    %dma_wait3A_40 = tpu.memref_slice %arg3[%add3A_4] : memref<1048576xi32, #tpu.memory_space<hbm>> -> memref<4096xi32, #tpu.memory_space<hbm>>
    %dma_wait3A_41 = tpu.memref_slice %arg11[%dma_wait3A] : memref<8x!tpu.dma_semaphore, #tpu.memory_space<semaphore_mem>> -> memref<1x!tpu.dma_semaphore, #tpu.memory_space<semaphore_mem>>
    %dma_wait3A_42 = tpu.memref_squeeze %dma_wait3A_41 : memref<1x!tpu.dma_semaphore, #tpu.memory_space<semaphore_mem>> -> memref<!tpu.dma_semaphore, #tpu.memory_space<semaphore_mem>>
    %dma_wait3A_43 = arith.constant 0 : i32
    %dma_wait3A_44 = tpu.memref_slice %arg7[%dma_wait3A_43] : memref<32768xi32, #tpu.memory_space<vmem>> -> memref<4096xi32, #tpu.memory_space<vmem>>
    %dma_wait3A_45 = tpu.memref_slice %arg3[%add3A_4] : memref<1048576xi32, #tpu.memory_space<hbm>> -> memref<4096xi32, #tpu.memory_space<hbm>>
    tpu.wait_dma2 semaphore(%dma_wait3A_42 : memref<!tpu.dma_semaphore, #tpu.memory_space<semaphore_mem>>) src(%dma_wait3A_45 : memref<4096xi32, #tpu.memory_space<hbm>>) dst(%dma_wait3A_44 : memref<4096xi32, #tpu.memory_space<vmem>>)
    %dma_wait3A_46 = arith.constant 0 : i32
    %dma_wait3A_47 = arith.constant 0 : i32
    %dma_wait3A_48 = tpu.memref_slice %arg8[%dma_wait3A_47] : memref<32768xi32, #tpu.memory_space<vmem>> -> memref<4096xi32, #tpu.memory_space<vmem>>
    %dma_wait3A_49 = tpu.memref_slice %arg4[%add3A_14] : memref<1048576xi32, #tpu.memory_space<hbm>> -> memref<4096xi32, #tpu.memory_space<hbm>>
    %dma_wait3A_50 = tpu.memref_slice %arg11[%dma_wait3A_46] : memref<8x!tpu.dma_semaphore, #tpu.memory_space<semaphore_mem>> -> memref<1x!tpu.dma_semaphore, #tpu.memory_space<semaphore_mem>>
    %dma_wait3A_51 = tpu.memref_squeeze %dma_wait3A_50 : memref<1x!tpu.dma_semaphore, #tpu.memory_space<semaphore_mem>> -> memref<!tpu.dma_semaphore, #tpu.memory_space<semaphore_mem>>
    %dma_wait3A_52 = arith.constant 0 : i32
    %dma_wait3A_53 = tpu.memref_slice %arg8[%dma_wait3A_52] : memref<32768xi32, #tpu.memory_space<vmem>> -> memref<4096xi32, #tpu.memory_space<vmem>>
    %dma_wait3A_54 = tpu.memref_slice %arg4[%add3A_14] : memref<1048576xi32, #tpu.memory_space<hbm>> -> memref<4096xi32, #tpu.memory_space<hbm>>
    tpu.wait_dma2 semaphore(%dma_wait3A_51 : memref<!tpu.dma_semaphore, #tpu.memory_space<semaphore_mem>>) src(%dma_wait3A_54 : memref<4096xi32, #tpu.memory_space<hbm>>) dst(%dma_wait3A_53 : memref<4096xi32, #tpu.memory_space<vmem>>)
    "tpu.trace_stop"() : () -> ()
    %add3A_55 = arith.constant 4096 : i32
    %add3A_56 = arith.addi %mul3A_2, %add3A_55 : i32
    %dma_start3A_57 = arith.constant 1 : i32
    %dma_start3A_58 = arith.constant 4096 : i32
    %dma_start3A_59 = tpu.memref_slice %arg7[%dma_start3A_58] : memref<32768xi32, #tpu.memory_space<vmem>> -> memref<4096xi32, #tpu.memory_space<vmem>>
    %dma_start3A_60 = tpu.memref_slice %arg3[%add3A_56] : memref<1048576xi32, #tpu.memory_space<hbm>> -> memref<4096xi32, #tpu.memory_space<hbm>>
    %dma_start3A_61 = tpu.memref_slice %arg11[%dma_start3A_57] : memref<8x!tpu.dma_semaphore, #tpu.memory_space<semaphore_mem>> -> memref<1x!tpu.dma_semaphore, #tpu.memory_space<semaphore_mem>>
    %dma_start3A_62 = tpu.memref_squeeze %dma_start3A_61 : memref<1x!tpu.dma_semaphore, #tpu.memory_space<semaphore_mem>> -> memref<!tpu.dma_semaphore, #tpu.memory_space<semaphore_mem>>
    %dma_start3A_63 = arith.constant 4096 : i32
    %dma_start3A_64 = tpu.memref_slice %arg7[%dma_start3A_63] : memref<32768xi32, #tpu.memory_space<vmem>> -> memref<4096xi32, #tpu.memory_space<vmem>>
    %dma_start3A_65 = tpu.memref_slice %arg3[%add3A_56] : memref<1048576xi32, #tpu.memory_space<hbm>> -> memref<4096xi32, #tpu.memory_space<hbm>>
    tpu.enqueue_dma source(%dma_start3A_65 : memref<4096xi32, #tpu.memory_space<hbm>>) target(%dma_start3A_64 : memref<4096xi32, #tpu.memory_space<vmem>>) target_semaphore(%dma_start3A_62 : memref<!tpu.dma_semaphore, #tpu.memory_space<semaphore_mem>>)
    %add3A_66 = arith.constant 4096 : i32
    %add3A_67 = arith.addi %mul3A_2, %add3A_66 : i32
    %dma_start3A_68 = arith.constant 1 : i32
    %dma_start3A_69 = arith.constant 4096 : i32
    %dma_start3A_70 = tpu.memref_slice %arg8[%dma_start3A_69] : memref<32768xi32, #tpu.memory_space<vmem>> -> memref<4096xi32, #tpu.memory_space<vmem>>
    %dma_start3A_71 = tpu.memref_slice %arg4[%add3A_67] : memref<1048576xi32, #tpu.memory_space<hbm>> -> memref<4096xi32, #tpu.memory_space<hbm>>
    %dma_start3A_72 = tpu.memref_slice %arg11[%dma_start3A_68] : memref<8x!tpu.dma_semaphore, #tpu.memory_space<semaphore_mem>> -> memref<1x!tpu.dma_semaphore, #tpu.memory_space<semaphore_mem>>
    %dma_start3A_73 = tpu.memref_squeeze %dma_start3A_72 : memref<1x!tpu.dma_semaphore, #tpu.memory_space<semaphore_mem>> -> memref<!tpu.dma_semaphore, #tpu.memory_space<semaphore_mem>>
    %dma_start3A_74 = arith.constant 4096 : i32
    %dma_start3A_75 = tpu.memref_slice %arg8[%dma_start3A_74] : memref<32768xi32, #tpu.memory_space<vmem>> -> memref<4096xi32, #tpu.memory_space<vmem>>
    %dma_start3A_76 = tpu.memref_slice %arg4[%add3A_67] : memref<1048576xi32, #tpu.memory_space<hbm>> -> memref<4096xi32, #tpu.memory_space<hbm>>
    tpu.enqueue_dma source(%dma_start3A_76 : memref<4096xi32, #tpu.memory_space<hbm>>) target(%dma_start3A_75 : memref<4096xi32, #tpu.memory_space<vmem>>) target_semaphore(%dma_start3A_73 : memref<!tpu.dma_semaphore, #tpu.memory_space<semaphore_mem>>)
    %parallel_loop3A = arith.constant 0 : i32
    %parallel_loop3A_77 = arith.constant 256 : i32
    %parallel_loop3A_78 = arith.constant 1 : i32
    "tpu.trace_start"() <{level = 10 : i32, message = "main0"}> : () -> ()
    scf.for %parallel_loop3A_358 = %parallel_loop3A to %parallel_loop3A_77 step %parallel_loop3A_78  : i32 {
      %parallel_loop3A_359 = arith.constant 16 : i32
      %parallel_loop3A_360 = arith.muli %parallel_loop3A_358, %parallel_loop3A_359 : i32
      %parallel_loop3A_361 = tpu.assume_multiple %parallel_loop3A_360, 16 : i32
      %parallel_loop3A_362 = arith.index_cast %parallel_loop3A_361 : i32 to index
      %parallel_loop3A_363 = tpu.vector_load %arg7[%parallel_loop3A_362] {strides = array<i32>} : memref<32768xi32, #tpu.memory_space<vmem>>, vector<16xi32>,
      %parallel_loop3A_364 = arith.index_cast %parallel_loop3A_361 : i32 to index
      %parallel_loop3A_365 = tpu.vector_load %arg8[%parallel_loop3A_364] {strides = array<i32>} : memref<32768xi32, #tpu.memory_space<vmem>>, vector<16xi32>,
      %parallel_loop3A_366 = tpu.vector_load_idx %arg6[%broadcast_in_dim3A_37, %parallel_loop3A_363] : memref<1x100xf32, #tpu.memory_space<vmem>>[vector<16xi32>, vector<16xi32>], vector<16xf32>,
      %parallel_loop3A_367 = arith.constant true
      %parallel_loop3A_368 = vector.broadcast %parallel_loop3A_367 : i1 to vector<16xi1>
      %parallel_loop3A_369 = tpu.scan <sum>, %parallel_loop3A_366 masked %parallel_loop3A_368 : vector<16xf32>, vector<16xi1> -> vector<16xf32>
      %parallel_loop3A_370 = vector.shape_cast %min3A_33 : vector<16xi32> to vector<16x1xi32>
      %parallel_loop3A_371 = vector.shape_cast %parallel_loop3A_370 : vector<16x1xi32> to vector<16xi32>
      %parallel_loop3A_372 = tpu.dynamic_gather %parallel_loop3A_365[%parallel_loop3A_371] in [0] : vector<16xi32>, vector<16xi32> -> vector<16xi32>
      %parallel_loop3A_373 = arith.cmpi ne, %parallel_loop3A_365, %parallel_loop3A_372 : vector<16xi32>
      %parallel_loop3A_374 = arith.ori %parallel_loop3A_373, %eq3A_35 : vector<16xi1>
      tpu.vector_store_idx %arg9[%parallel_loop3A_365], %parallel_loop3A_369 masked %parallel_loop3A_374 {add = true} : memref<16384xf32, #tpu.memory_space<vmem>>[vector<16xi32>], vector<16xf32>, vector<16xi1>
      %parallel_loop3A_375 = arith.constant 0.000000e+00 : f32
      %parallel_loop3A_376 = vector.broadcast %parallel_loop3A_375 : f32 to vector<16xf32>
      %parallel_loop3A_377 = arith.subf %parallel_loop3A_376, %parallel_loop3A_369 : vector<16xf32>
      tpu.vector_store_idx %arg9[%parallel_loop3A_372], %parallel_loop3A_377 masked %parallel_loop3A_373 {add = true} : memref<16384xf32, #tpu.memory_space<vmem>>[vector<16xi32>], vector<16xf32>, vector<16xi1>
    } {sc.loop_unroll_factor = 8 : i64, sc.parallel_access}
    %dma_wait3A_79 = arith.constant 1 : i32
    "tpu.trace_stop"() : () -> ()
    "tpu.trace_start"() <{level = 10 : i32, message = "wait1"}> : () -> ()
    %dma_wait3A_80 = arith.constant 4096 : i32
    %dma_wait3A_81 = tpu.memref_slice %arg7[%dma_wait3A_80] : memref<32768xi32, #tpu.memory_space<vmem>> -> memref<4096xi32, #tpu.memory_space<vmem>>
    %dma_wait3A_82 = tpu.memref_slice %arg3[%add3A_56] : memref<1048576xi32, #tpu.memory_space<hbm>> -> memref<4096xi32, #tpu.memory_space<hbm>>
    %dma_wait3A_83 = tpu.memref_slice %arg11[%dma_wait3A_79] : memref<8x!tpu.dma_semaphore, #tpu.memory_space<semaphore_mem>> -> memref<1x!tpu.dma_semaphore, #tpu.memory_space<semaphore_mem>>
    %dma_wait3A_84 = tpu.memref_squeeze %dma_wait3A_83 : memref<1x!tpu.dma_semaphore, #tpu.memory_space<semaphore_mem>> -> memref<!tpu.dma_semaphore, #tpu.memory_space<semaphore_mem>>
    %dma_wait3A_85 = arith.constant 4096 : i32
    %dma_wait3A_86 = tpu.memref_slice %arg7[%dma_wait3A_85] : memref<32768xi32, #tpu.memory_space<vmem>> -> memref<4096xi32, #tpu.memory_space<vmem>>
    %dma_wait3A_87 = tpu.memref_slice %arg3[%add3A_56] : memref<1048576xi32, #tpu.memory_space<hbm>> -> memref<4096xi32, #tpu.memory_space<hbm>>
    tpu.wait_dma2 semaphore(%dma_wait3A_84 : memref<!tpu.dma_semaphore, #tpu.memory_space<semaphore_mem>>) src(%dma_wait3A_87 : memref<4096xi32, #tpu.memory_space<hbm>>) dst(%dma_wait3A_86 : memref<4096xi32, #tpu.memory_space<vmem>>)
    %dma_wait3A_88 = arith.constant 1 : i32
    %dma_wait3A_89 = arith.constant 4096 : i32
    %dma_wait3A_90 = tpu.memref_slice %arg8[%dma_wait3A_89] : memref<32768xi32, #tpu.memory_space<vmem>> -> memref<4096xi32, #tpu.memory_space<vmem>>
    %dma_wait3A_91 = tpu.memref_slice %arg4[%add3A_67] : memref<1048576xi32, #tpu.memory_space<hbm>> -> memref<4096xi32, #tpu.memory_space<hbm>>
    %dma_wait3A_92 = tpu.memref_slice %arg11[%dma_wait3A_88] : memref<8x!tpu.dma_semaphore, #tpu.memory_space<semaphore_mem>> -> memref<1x!tpu.dma_semaphore, #tpu.memory_space<semaphore_mem>>
    %dma_wait3A_93 = tpu.memref_squeeze %dma_wait3A_92 : memref<1x!tpu.dma_semaphore, #tpu.memory_space<semaphore_mem>> -> memref<!tpu.dma_semaphore, #tpu.memory_space<semaphore_mem>>
    %dma_wait3A_94 = arith.constant 4096 : i32
    %dma_wait3A_95 = tpu.memref_slice %arg8[%dma_wait3A_94] : memref<32768xi32, #tpu.memory_space<vmem>> -> memref<4096xi32, #tpu.memory_space<vmem>>
    %dma_wait3A_96 = tpu.memref_slice %arg4[%add3A_67] : memref<1048576xi32, #tpu.memory_space<hbm>> -> memref<4096xi32, #tpu.memory_space<hbm>>
    tpu.wait_dma2 semaphore(%dma_wait3A_93 : memref<!tpu.dma_semaphore, #tpu.memory_space<semaphore_mem>>) src(%dma_wait3A_96 : memref<4096xi32, #tpu.memory_space<hbm>>) dst(%dma_wait3A_95 : memref<4096xi32, #tpu.memory_space<vmem>>)
    "tpu.trace_stop"() : () -> ()
    %add3A_97 = arith.constant 8192 : i32
    %add3A_98 = arith.addi %mul3A_2, %add3A_97 : i32
    %dma_start3A_99 = arith.constant 2 : i32
    %dma_start3A_100 = arith.constant 8192 : i32
    %dma_start3A_101 = tpu.memref_slice %arg7[%dma_start3A_100] : memref<32768xi32, #tpu.memory_space<vmem>> -> memref<4096xi32, #tpu.memory_space<vmem>>
    %dma_start3A_102 = tpu.memref_slice %arg3[%add3A_98] : memref<1048576xi32, #tpu.memory_space<hbm>> -> memref<4096xi32, #tpu.memory_space<hbm>>
    %dma_start3A_103 = tpu.memref_slice %arg11[%dma_start3A_99] : memref<8x!tpu.dma_semaphore, #tpu.memory_space<semaphore_mem>> -> memref<1x!tpu.dma_semaphore, #tpu.memory_space<semaphore_mem>>
    %dma_start3A_104 = tpu.memref_squeeze %dma_start3A_103 : memref<1x!tpu.dma_semaphore, #tpu.memory_space<semaphore_mem>> -> memref<!tpu.dma_semaphore, #tpu.memory_space<semaphore_mem>>
    %dma_start3A_105 = arith.constant 8192 : i32
    %dma_start3A_106 = tpu.memref_slice %arg7[%dma_start3A_105] : memref<32768xi32, #tpu.memory_space<vmem>> -> memref<4096xi32, #tpu.memory_space<vmem>>
    %dma_start3A_107 = tpu.memref_slice %arg3[%add3A_98] : memref<1048576xi32, #tpu.memory_space<hbm>> -> memref<4096xi32, #tpu.memory_space<hbm>>
    tpu.enqueue_dma source(%dma_start3A_107 : memref<4096xi32, #tpu.memory_space<hbm>>) target(%dma_start3A_106 : memref<4096xi32, #tpu.memory_space<vmem>>) target_semaphore(%dma_start3A_104 : memref<!tpu.dma_semaphore, #tpu.memory_space<semaphore_mem>>)
    %add3A_108 = arith.constant 8192 : i32
    %add3A_109 = arith.addi %mul3A_2, %add3A_108 : i32
    %dma_start3A_110 = arith.constant 2 : i32
    %dma_start3A_111 = arith.constant 8192 : i32
    %dma_start3A_112 = tpu.memref_slice %arg8[%dma_start3A_111] : memref<32768xi32, #tpu.memory_space<vmem>> -> memref<4096xi32, #tpu.memory_space<vmem>>
    %dma_start3A_113 = tpu.memref_slice %arg4[%add3A_109] : memref<1048576xi32, #tpu.memory_space<hbm>> -> memref<4096xi32, #tpu.memory_space<hbm>>
    %dma_start3A_114 = tpu.memref_slice %arg11[%dma_start3A_110] : memref<8x!tpu.dma_semaphore, #tpu.memory_space<semaphore_mem>> -> memref<1x!tpu.dma_semaphore, #tpu.memory_space<semaphore_mem>>
    %dma_start3A_115 = tpu.memref_squeeze %dma_start3A_114 : memref<1x!tpu.dma_semaphore, #tpu.memory_space<semaphore_mem>> -> memref<!tpu.dma_semaphore, #tpu.memory_space<semaphore_mem>>
    %dma_start3A_116 = arith.constant 8192 : i32
    %dma_start3A_117 = tpu.memref_slice %arg8[%dma_start3A_116] : memref<32768xi32, #tpu.memory_space<vmem>> -> memref<4096xi32, #tpu.memory_space<vmem>>
    %dma_start3A_118 = tpu.memref_slice %arg4[%add3A_109] : memref<1048576xi32, #tpu.memory_space<hbm>> -> memref<4096xi32, #tpu.memory_space<hbm>>
    tpu.enqueue_dma source(%dma_start3A_118 : memref<4096xi32, #tpu.memory_space<hbm>>) target(%dma_start3A_117 : memref<4096xi32, #tpu.memory_space<vmem>>) target_semaphore(%dma_start3A_115 : memref<!tpu.dma_semaphore, #tpu.memory_space<semaphore_mem>>)
    %parallel_loop3A_119 = arith.constant 256 : i32
    %parallel_loop3A_120 = arith.constant 512 : i32
    %parallel_loop3A_121 = arith.constant 1 : i32
    "tpu.trace_start"() <{level = 10 : i32, message = "main1"}> : () -> ()
    scf.for %parallel_loop3A_358 = %parallel_loop3A_119 to %parallel_loop3A_120 step %parallel_loop3A_121  : i32 {
      %parallel_loop3A_359 = arith.constant 16 : i32
      %parallel_loop3A_360 = arith.muli %parallel_loop3A_358, %parallel_loop3A_359 : i32
      %parallel_loop3A_361 = tpu.assume_multiple %parallel_loop3A_360, 16 : i32
      %parallel_loop3A_362 = arith.index_cast %parallel_loop3A_361 : i32 to index
      %parallel_loop3A_363 = tpu.vector_load %arg7[%parallel_loop3A_362] {strides = array<i32>} : memref<32768xi32, #tpu.memory_space<vmem>>, vector<16xi32>,
      %parallel_loop3A_364 = arith.index_cast %parallel_loop3A_361 : i32 to index
      %parallel_loop3A_365 = tpu.vector_load %arg8[%parallel_loop3A_364] {strides = array<i32>} : memref<32768xi32, #tpu.memory_space<vmem>>, vector<16xi32>,
      %parallel_loop3A_366 = tpu.vector_load_idx %arg6[%broadcast_in_dim3A_37, %parallel_loop3A_363] : memref<1x100xf32, #tpu.memory_space<vmem>>[vector<16xi32>, vector<16xi32>], vector<16xf32>,
      %parallel_loop3A_367 = arith.constant true
      %parallel_loop3A_368 = vector.broadcast %parallel_loop3A_367 : i1 to vector<16xi1>
      %parallel_loop3A_369 = tpu.scan <sum>, %parallel_loop3A_366 masked %parallel_loop3A_368 : vector<16xf32>, vector<16xi1> -> vector<16xf32>
      %parallel_loop3A_370 = vector.shape_cast %min3A_33 : vector<16xi32> to vector<16x1xi32>
      %parallel_loop3A_371 = vector.shape_cast %parallel_loop3A_370 : vector<16x1xi32> to vector<16xi32>
      %parallel_loop3A_372 = tpu.dynamic_gather %parallel_loop3A_365[%parallel_loop3A_371] in [0] : vector<16xi32>, vector<16xi32> -> vector<16xi32>
      %parallel_loop3A_373 = arith.cmpi ne, %parallel_loop3A_365, %parallel_loop3A_372 : vector<16xi32>
      %parallel_loop3A_374 = arith.ori %parallel_loop3A_373, %eq3A_35 : vector<16xi1>
      tpu.vector_store_idx %arg9[%parallel_loop3A_365], %parallel_loop3A_369 masked %parallel_loop3A_374 {add = true} : memref<16384xf32, #tpu.memory_space<vmem>>[vector<16xi32>], vector<16xf32>, vector<16xi1>
      %parallel_loop3A_375 = arith.constant 0.000000e+00 : f32
      %parallel_loop3A_376 = vector.broadcast %parallel_loop3A_375 : f32 to vector<16xf32>
      %parallel_loop3A_377 = arith.subf %parallel_loop3A_376, %parallel_loop3A_369 : vector<16xf32>
      tpu.vector_store_idx %arg9[%parallel_loop3A_372], %parallel_loop3A_377 masked %parallel_loop3A_373 {add = true} : memref<16384xf32, #tpu.memory_space<vmem>>[vector<16xi32>], vector<16xf32>, vector<16xi1>
    } {sc.loop_unroll_factor = 8 : i64, sc.parallel_access}
    %dma_wait3A_122 = arith.constant 2 : i32
    "tpu.trace_stop"() : () -> ()
    "tpu.trace_start"() <{level = 10 : i32, message = "wait2"}> : () -> ()
    %dma_wait3A_123 = arith.constant 8192 : i32
    %dma_wait3A_124 = tpu.memref_slice %arg7[%dma_wait3A_123] : memref<32768xi32, #tpu.memory_space<vmem>> -> memref<4096xi32, #tpu.memory_space<vmem>>
    %dma_wait3A_125 = tpu.memref_slice %arg3[%add3A_98] : memref<1048576xi32, #tpu.memory_space<hbm>> -> memref<4096xi32, #tpu.memory_space<hbm>>
    %dma_wait3A_126 = tpu.memref_slice %arg11[%dma_wait3A_122] : memref<8x!tpu.dma_semaphore, #tpu.memory_space<semaphore_mem>> -> memref<1x!tpu.dma_semaphore, #tpu.memory_space<semaphore_mem>>
    %dma_wait3A_127 = tpu.memref_squeeze %dma_wait3A_126 : memref<1x!tpu.dma_semaphore, #tpu.memory_space<semaphore_mem>> -> memref<!tpu.dma_semaphore, #tpu.memory_space<semaphore_mem>>
    %dma_wait3A_128 = arith.constant 8192 : i32
    %dma_wait3A_129 = tpu.memref_slice %arg7[%dma_wait3A_128] : memref<32768xi32, #tpu.memory_space<vmem>> -> memref<4096xi32, #tpu.memory_space<vmem>>
    %dma_wait3A_130 = tpu.memref_slice %arg3[%add3A_98] : memref<1048576xi32, #tpu.memory_space<hbm>> -> memref<4096xi32, #tpu.memory_space<hbm>>
    tpu.wait_dma2 semaphore(%dma_wait3A_127 : memref<!tpu.dma_semaphore, #tpu.memory_space<semaphore_mem>>) src(%dma_wait3A_130 : memref<4096xi32, #tpu.memory_space<hbm>>) dst(%dma_wait3A_129 : memref<4096xi32, #tpu.memory_space<vmem>>)
    %dma_wait3A_131 = arith.constant 2 : i32
    %dma_wait3A_132 = arith.constant 8192 : i32
    %dma_wait3A_133 = tpu.memref_slice %arg8[%dma_wait3A_132] : memref<32768xi32, #tpu.memory_space<vmem>> -> memref<4096xi32, #tpu.memory_space<vmem>>
    %dma_wait3A_134 = tpu.memref_slice %arg4[%add3A_109] : memref<1048576xi32, #tpu.memory_space<hbm>> -> memref<4096xi32, #tpu.memory_space<hbm>>
    %dma_wait3A_135 = tpu.memref_slice %arg11[%dma_wait3A_131] : memref<8x!tpu.dma_semaphore, #tpu.memory_space<semaphore_mem>> -> memref<1x!tpu.dma_semaphore, #tpu.memory_space<semaphore_mem>>
    %dma_wait3A_136 = tpu.memref_squeeze %dma_wait3A_135 : memref<1x!tpu.dma_semaphore, #tpu.memory_space<semaphore_mem>> -> memref<!tpu.dma_semaphore, #tpu.memory_space<semaphore_mem>>
    %dma_wait3A_137 = arith.constant 8192 : i32
    %dma_wait3A_138 = tpu.memref_slice %arg8[%dma_wait3A_137] : memref<32768xi32, #tpu.memory_space<vmem>> -> memref<4096xi32, #tpu.memory_space<vmem>>
    %dma_wait3A_139 = tpu.memref_slice %arg4[%add3A_109] : memref<1048576xi32, #tpu.memory_space<hbm>> -> memref<4096xi32, #tpu.memory_space<hbm>>
    tpu.wait_dma2 semaphore(%dma_wait3A_136 : memref<!tpu.dma_semaphore, #tpu.memory_space<semaphore_mem>>) src(%dma_wait3A_139 : memref<4096xi32, #tpu.memory_space<hbm>>) dst(%dma_wait3A_138 : memref<4096xi32, #tpu.memory_space<vmem>>)
    "tpu.trace_stop"() : () -> ()
    %add3A_140 = arith.constant 12288 : i32
    %add3A_141 = arith.addi %mul3A_2, %add3A_140 : i32
    %dma_start3A_142 = arith.constant 3 : i32
    %dma_start3A_143 = arith.constant 12288 : i32
    %dma_start3A_144 = tpu.memref_slice %arg7[%dma_start3A_143] : memref<32768xi32, #tpu.memory_space<vmem>> -> memref<4096xi32, #tpu.memory_space<vmem>>
    %dma_start3A_145 = tpu.memref_slice %arg3[%add3A_141] : memref<1048576xi32, #tpu.memory_space<hbm>> -> memref<4096xi32, #tpu.memory_space<hbm>>
    %dma_start3A_146 = tpu.memref_slice %arg11[%dma_start3A_142] : memref<8x!tpu.dma_semaphore, #tpu.memory_space<semaphore_mem>> -> memref<1x!tpu.dma_semaphore, #tpu.memory_space<semaphore_mem>>
    %dma_start3A_147 = tpu.memref_squeeze %dma_start3A_146 : memref<1x!tpu.dma_semaphore, #tpu.memory_space<semaphore_mem>> -> memref<!tpu.dma_semaphore, #tpu.memory_space<semaphore_mem>>
    %dma_start3A_148 = arith.constant 12288 : i32
    %dma_start3A_149 = tpu.memref_slice %arg7[%dma_start3A_148] : memref<32768xi32, #tpu.memory_space<vmem>> -> memref<4096xi32, #tpu.memory_space<vmem>>
    %dma_start3A_150 = tpu.memref_slice %arg3[%add3A_141] : memref<1048576xi32, #tpu.memory_space<hbm>> -> memref<4096xi32, #tpu.memory_space<hbm>>
    tpu.enqueue_dma source(%dma_start3A_150 : memref<4096xi32, #tpu.memory_space<hbm>>) target(%dma_start3A_149 : memref<4096xi32, #tpu.memory_space<vmem>>) target_semaphore(%dma_start3A_147 : memref<!tpu.dma_semaphore, #tpu.memory_space<semaphore_mem>>)
    %add3A_151 = arith.constant 12288 : i32
    %add3A_152 = arith.addi %mul3A_2, %add3A_151 : i32
    %dma_start3A_153 = arith.constant 3 : i32
    %dma_start3A_154 = arith.constant 12288 : i32
    %dma_start3A_155 = tpu.memref_slice %arg8[%dma_start3A_154] : memref<32768xi32, #tpu.memory_space<vmem>> -> memref<4096xi32, #tpu.memory_space<vmem>>
    %dma_start3A_156 = tpu.memref_slice %arg4[%add3A_152] : memref<1048576xi32, #tpu.memory_space<hbm>> -> memref<4096xi32, #tpu.memory_space<hbm>>
    %dma_start3A_157 = tpu.memref_slice %arg11[%dma_start3A_153] : memref<8x!tpu.dma_semaphore, #tpu.memory_space<semaphore_mem>> -> memref<1x!tpu.dma_semaphore, #tpu.memory_space<semaphore_mem>>
    %dma_start3A_158 = tpu.memref_squeeze %dma_start3A_157 : memref<1x!tpu.dma_semaphore, #tpu.memory_space<semaphore_mem>> -> memref<!tpu.dma_semaphore, #tpu.memory_space<semaphore_mem>>
    %dma_start3A_159 = arith.constant 12288 : i32
    %dma_start3A_160 = tpu.memref_slice %arg8[%dma_start3A_159] : memref<32768xi32, #tpu.memory_space<vmem>> -> memref<4096xi32, #tpu.memory_space<vmem>>
    %dma_start3A_161 = tpu.memref_slice %arg4[%add3A_152] : memref<1048576xi32, #tpu.memory_space<hbm>> -> memref<4096xi32, #tpu.memory_space<hbm>>
    tpu.enqueue_dma source(%dma_start3A_161 : memref<4096xi32, #tpu.memory_space<hbm>>) target(%dma_start3A_160 : memref<4096xi32, #tpu.memory_space<vmem>>) target_semaphore(%dma_start3A_158 : memref<!tpu.dma_semaphore, #tpu.memory_space<semaphore_mem>>)
    %parallel_loop3A_162 = arith.constant 512 : i32
    %parallel_loop3A_163 = arith.constant 768 : i32
    %parallel_loop3A_164 = arith.constant 1 : i32
    "tpu.trace_start"() <{level = 10 : i32, message = "main2"}> : () -> ()
    scf.for %parallel_loop3A_358 = %parallel_loop3A_162 to %parallel_loop3A_163 step %parallel_loop3A_164  : i32 {
      %parallel_loop3A_359 = arith.constant 16 : i32
      %parallel_loop3A_360 = arith.muli %parallel_loop3A_358, %parallel_loop3A_359 : i32
      %parallel_loop3A_361 = tpu.assume_multiple %parallel_loop3A_360, 16 : i32
      %parallel_loop3A_362 = arith.index_cast %parallel_loop3A_361 : i32 to index
      %parallel_loop3A_363 = tpu.vector_load %arg7[%parallel_loop3A_362] {strides = array<i32>} : memref<32768xi32, #tpu.memory_space<vmem>>, vector<16xi32>,
      %parallel_loop3A_364 = arith.index_cast %parallel_loop3A_361 : i32 to index
      %parallel_loop3A_365 = tpu.vector_load %arg8[%parallel_loop3A_364] {strides = array<i32>} : memref<32768xi32, #tpu.memory_space<vmem>>, vector<16xi32>,
      %parallel_loop3A_366 = tpu.vector_load_idx %arg6[%broadcast_in_dim3A_37, %parallel_loop3A_363] : memref<1x100xf32, #tpu.memory_space<vmem>>[vector<16xi32>, vector<16xi32>], vector<16xf32>,
      %parallel_loop3A_367 = arith.constant true
      %parallel_loop3A_368 = vector.broadcast %parallel_loop3A_367 : i1 to vector<16xi1>
      %parallel_loop3A_369 = tpu.scan <sum>, %parallel_loop3A_366 masked %parallel_loop3A_368 : vector<16xf32>, vector<16xi1> -> vector<16xf32>
      %parallel_loop3A_370 = vector.shape_cast %min3A_33 : vector<16xi32> to vector<16x1xi32>
      %parallel_loop3A_371 = vector.shape_cast %parallel_loop3A_370 : vector<16x1xi32> to vector<16xi32>
      %parallel_loop3A_372 = tpu.dynamic_gather %parallel_loop3A_365[%parallel_loop3A_371] in [0] : vector<16xi32>, vector<16xi32> -> vector<16xi32>
      %parallel_loop3A_373 = arith.cmpi ne, %parallel_loop3A_365, %parallel_loop3A_372 : vector<16xi32>
      %parallel_loop3A_374 = arith.ori %parallel_loop3A_373, %eq3A_35 : vector<16xi1>
      tpu.vector_store_idx %arg9[%parallel_loop3A_365], %parallel_loop3A_369 masked %parallel_loop3A_374 {add = true} : memref<16384xf32, #tpu.memory_space<vmem>>[vector<16xi32>], vector<16xf32>, vector<16xi1>
      %parallel_loop3A_375 = arith.constant 0.000000e+00 : f32
      %parallel_loop3A_376 = vector.broadcast %parallel_loop3A_375 : f32 to vector<16xf32>
      %parallel_loop3A_377 = arith.subf %parallel_loop3A_376, %parallel_loop3A_369 : vector<16xf32>
      tpu.vector_store_idx %arg9[%parallel_loop3A_372], %parallel_loop3A_377 masked %parallel_loop3A_373 {add = true} : memref<16384xf32, #tpu.memory_space<vmem>>[vector<16xi32>], vector<16xf32>, vector<16xi1>
    } {sc.loop_unroll_factor = 8 : i64, sc.parallel_access}
    %dma_wait3A_165 = arith.constant 3 : i32
    "tpu.trace_stop"() : () -> ()
    "tpu.trace_start"() <{level = 10 : i32, message = "wait3"}> : () -> ()
    %dma_wait3A_166 = arith.constant 12288 : i32
    %dma_wait3A_167 = tpu.memref_slice %arg7[%dma_wait3A_166] : memref<32768xi32, #tpu.memory_space<vmem>> -> memref<4096xi32, #tpu.memory_space<vmem>>
    %dma_wait3A_168 = tpu.memref_slice %arg3[%add3A_141] : memref<1048576xi32, #tpu.memory_space<hbm>> -> memref<4096xi32, #tpu.memory_space<hbm>>
    %dma_wait3A_169 = tpu.memref_slice %arg11[%dma_wait3A_165] : memref<8x!tpu.dma_semaphore, #tpu.memory_space<semaphore_mem>> -> memref<1x!tpu.dma_semaphore, #tpu.memory_space<semaphore_mem>>
    %dma_wait3A_170 = tpu.memref_squeeze %dma_wait3A_169 : memref<1x!tpu.dma_semaphore, #tpu.memory_space<semaphore_mem>> -> memref<!tpu.dma_semaphore, #tpu.memory_space<semaphore_mem>>
    %dma_wait3A_171 = arith.constant 12288 : i32
    %dma_wait3A_172 = tpu.memref_slice %arg7[%dma_wait3A_171] : memref<32768xi32, #tpu.memory_space<vmem>> -> memref<4096xi32, #tpu.memory_space<vmem>>
    %dma_wait3A_173 = tpu.memref_slice %arg3[%add3A_141] : memref<1048576xi32, #tpu.memory_space<hbm>> -> memref<4096xi32, #tpu.memory_space<hbm>>
    tpu.wait_dma2 semaphore(%dma_wait3A_170 : memref<!tpu.dma_semaphore, #tpu.memory_space<semaphore_mem>>) src(%dma_wait3A_173 : memref<4096xi32, #tpu.memory_space<hbm>>) dst(%dma_wait3A_172 : memref<4096xi32, #tpu.memory_space<vmem>>)
    %dma_wait3A_174 = arith.constant 3 : i32
    %dma_wait3A_175 = arith.constant 12288 : i32
    %dma_wait3A_176 = tpu.memref_slice %arg8[%dma_wait3A_175] : memref<32768xi32, #tpu.memory_space<vmem>> -> memref<4096xi32, #tpu.memory_space<vmem>>
    %dma_wait3A_177 = tpu.memref_slice %arg4[%add3A_152] : memref<1048576xi32, #tpu.memory_space<hbm>> -> memref<4096xi32, #tpu.memory_space<hbm>>
    %dma_wait3A_178 = tpu.memref_slice %arg11[%dma_wait3A_174] : memref<8x!tpu.dma_semaphore, #tpu.memory_space<semaphore_mem>> -> memref<1x!tpu.dma_semaphore, #tpu.memory_space<semaphore_mem>>
    %dma_wait3A_179 = tpu.memref_squeeze %dma_wait3A_178 : memref<1x!tpu.dma_semaphore, #tpu.memory_space<semaphore_mem>> -> memref<!tpu.dma_semaphore, #tpu.memory_space<semaphore_mem>>
    %dma_wait3A_180 = arith.constant 12288 : i32
    %dma_wait3A_181 = tpu.memref_slice %arg8[%dma_wait3A_180] : memref<32768xi32, #tpu.memory_space<vmem>> -> memref<4096xi32, #tpu.memory_space<vmem>>
    %dma_wait3A_182 = tpu.memref_slice %arg4[%add3A_152] : memref<1048576xi32, #tpu.memory_space<hbm>> -> memref<4096xi32, #tpu.memory_space<hbm>>
    tpu.wait_dma2 semaphore(%dma_wait3A_179 : memref<!tpu.dma_semaphore, #tpu.memory_space<semaphore_mem>>) src(%dma_wait3A_182 : memref<4096xi32, #tpu.memory_space<hbm>>) dst(%dma_wait3A_181 : memref<4096xi32, #tpu.memory_space<vmem>>)
    "tpu.trace_stop"() : () -> ()
    %add3A_183 = arith.constant 16384 : i32
    %add3A_184 = arith.addi %mul3A_2, %add3A_183 : i32
    %dma_start3A_185 = arith.constant 4 : i32
    %dma_start3A_186 = arith.constant 16384 : i32
    %dma_start3A_187 = tpu.memref_slice %arg7[%dma_start3A_186] : memref<32768xi32, #tpu.memory_space<vmem>> -> memref<4096xi32, #tpu.memory_space<vmem>>
    %dma_start3A_188 = tpu.memref_slice %arg3[%add3A_184] : memref<1048576xi32, #tpu.memory_space<hbm>> -> memref<4096xi32, #tpu.memory_space<hbm>>
    %dma_start3A_189 = tpu.memref_slice %arg11[%dma_start3A_185] : memref<8x!tpu.dma_semaphore, #tpu.memory_space<semaphore_mem>> -> memref<1x!tpu.dma_semaphore, #tpu.memory_space<semaphore_mem>>
    %dma_start3A_190 = tpu.memref_squeeze %dma_start3A_189 : memref<1x!tpu.dma_semaphore, #tpu.memory_space<semaphore_mem>> -> memref<!tpu.dma_semaphore, #tpu.memory_space<semaphore_mem>>
    %dma_start3A_191 = arith.constant 16384 : i32
    %dma_start3A_192 = tpu.memref_slice %arg7[%dma_start3A_191] : memref<32768xi32, #tpu.memory_space<vmem>> -> memref<4096xi32, #tpu.memory_space<vmem>>
    %dma_start3A_193 = tpu.memref_slice %arg3[%add3A_184] : memref<1048576xi32, #tpu.memory_space<hbm>> -> memref<4096xi32, #tpu.memory_space<hbm>>
    tpu.enqueue_dma source(%dma_start3A_193 : memref<4096xi32, #tpu.memory_space<hbm>>) target(%dma_start3A_192 : memref<4096xi32, #tpu.memory_space<vmem>>) target_semaphore(%dma_start3A_190 : memref<!tpu.dma_semaphore, #tpu.memory_space<semaphore_mem>>)
    %add3A_194 = arith.constant 16384 : i32
    %add3A_195 = arith.addi %mul3A_2, %add3A_194 : i32
    %dma_start3A_196 = arith.constant 4 : i32
    %dma_start3A_197 = arith.constant 16384 : i32
    %dma_start3A_198 = tpu.memref_slice %arg8[%dma_start3A_197] : memref<32768xi32, #tpu.memory_space<vmem>> -> memref<4096xi32, #tpu.memory_space<vmem>>
    %dma_start3A_199 = tpu.memref_slice %arg4[%add3A_195] : memref<1048576xi32, #tpu.memory_space<hbm>> -> memref<4096xi32, #tpu.memory_space<hbm>>
    %dma_start3A_200 = tpu.memref_slice %arg11[%dma_start3A_196] : memref<8x!tpu.dma_semaphore, #tpu.memory_space<semaphore_mem>> -> memref<1x!tpu.dma_semaphore, #tpu.memory_space<semaphore_mem>>
    %dma_start3A_201 = tpu.memref_squeeze %dma_start3A_200 : memref<1x!tpu.dma_semaphore, #tpu.memory_space<semaphore_mem>> -> memref<!tpu.dma_semaphore, #tpu.memory_space<semaphore_mem>>
    %dma_start3A_202 = arith.constant 16384 : i32
    %dma_start3A_203 = tpu.memref_slice %arg8[%dma_start3A_202] : memref<32768xi32, #tpu.memory_space<vmem>> -> memref<4096xi32, #tpu.memory_space<vmem>>
    %dma_start3A_204 = tpu.memref_slice %arg4[%add3A_195] : memref<1048576xi32, #tpu.memory_space<hbm>> -> memref<4096xi32, #tpu.memory_space<hbm>>
    tpu.enqueue_dma source(%dma_start3A_204 : memref<4096xi32, #tpu.memory_space<hbm>>) target(%dma_start3A_203 : memref<4096xi32, #tpu.memory_space<vmem>>) target_semaphore(%dma_start3A_201 : memref<!tpu.dma_semaphore, #tpu.memory_space<semaphore_mem>>)
    %parallel_loop3A_205 = arith.constant 768 : i32
    %parallel_loop3A_206 = arith.constant 1024 : i32
    %parallel_loop3A_207 = arith.constant 1 : i32
    "tpu.trace_start"() <{level = 10 : i32, message = "main3"}> : () -> ()
    scf.for %parallel_loop3A_358 = %parallel_loop3A_205 to %parallel_loop3A_206 step %parallel_loop3A_207  : i32 {
      %parallel_loop3A_359 = arith.constant 16 : i32
      %parallel_loop3A_360 = arith.muli %parallel_loop3A_358, %parallel_loop3A_359 : i32
      %parallel_loop3A_361 = tpu.assume_multiple %parallel_loop3A_360, 16 : i32
      %parallel_loop3A_362 = arith.index_cast %parallel_loop3A_361 : i32 to index
      %parallel_loop3A_363 = tpu.vector_load %arg7[%parallel_loop3A_362] {strides = array<i32>} : memref<32768xi32, #tpu.memory_space<vmem>>, vector<16xi32>,
      %parallel_loop3A_364 = arith.index_cast %parallel_loop3A_361 : i32 to index
      %parallel_loop3A_365 = tpu.vector_load %arg8[%parallel_loop3A_364] {strides = array<i32>} : memref<32768xi32, #tpu.memory_space<vmem>>, vector<16xi32>,
      %parallel_loop3A_366 = tpu.vector_load_idx %arg6[%broadcast_in_dim3A_37, %parallel_loop3A_363] : memref<1x100xf32, #tpu.memory_space<vmem>>[vector<16xi32>, vector<16xi32>], vector<16xf32>,
      %parallel_loop3A_367 = arith.constant true
      %parallel_loop3A_368 = vector.broadcast %parallel_loop3A_367 : i1 to vector<16xi1>
      %parallel_loop3A_369 = tpu.scan <sum>, %parallel_loop3A_366 masked %parallel_loop3A_368 : vector<16xf32>, vector<16xi1> -> vector<16xf32>
      %parallel_loop3A_370 = vector.shape_cast %min3A_33 : vector<16xi32> to vector<16x1xi32>
      %parallel_loop3A_371 = vector.shape_cast %parallel_loop3A_370 : vector<16x1xi32> to vector<16xi32>
      %parallel_loop3A_372 = tpu.dynamic_gather %parallel_loop3A_365[%parallel_loop3A_371] in [0] : vector<16xi32>, vector<16xi32> -> vector<16xi32>
      %parallel_loop3A_373 = arith.cmpi ne, %parallel_loop3A_365, %parallel_loop3A_372 : vector<16xi32>
      %parallel_loop3A_374 = arith.ori %parallel_loop3A_373, %eq3A_35 : vector<16xi1>
      tpu.vector_store_idx %arg9[%parallel_loop3A_365], %parallel_loop3A_369 masked %parallel_loop3A_374 {add = true} : memref<16384xf32, #tpu.memory_space<vmem>>[vector<16xi32>], vector<16xf32>, vector<16xi1>
      %parallel_loop3A_375 = arith.constant 0.000000e+00 : f32
      %parallel_loop3A_376 = vector.broadcast %parallel_loop3A_375 : f32 to vector<16xf32>
      %parallel_loop3A_377 = arith.subf %parallel_loop3A_376, %parallel_loop3A_369 : vector<16xf32>
      tpu.vector_store_idx %arg9[%parallel_loop3A_372], %parallel_loop3A_377 masked %parallel_loop3A_373 {add = true} : memref<16384xf32, #tpu.memory_space<vmem>>[vector<16xi32>], vector<16xf32>, vector<16xi1>
    } {sc.loop_unroll_factor = 8 : i64, sc.parallel_access}
    %dma_wait3A_208 = arith.constant 4 : i32
    "tpu.trace_stop"() : () -> ()
    "tpu.trace_start"() <{level = 10 : i32, message = "wait4"}> : () -> ()
    %dma_wait3A_209 = arith.constant 16384 : i32
    %dma_wait3A_210 = tpu.memref_slice %arg7[%dma_wait3A_209] : memref<32768xi32, #tpu.memory_space<vmem>> -> memref<4096xi32, #tpu.memory_space<vmem>>
    %dma_wait3A_211 = tpu.memref_slice %arg3[%add3A_184] : memref<1048576xi32, #tpu.memory_space<hbm>> -> memref<4096xi32, #tpu.memory_space<hbm>>
    %dma_wait3A_212 = tpu.memref_slice %arg11[%dma_wait3A_208] : memref<8x!tpu.dma_semaphore, #tpu.memory_space<semaphore_mem>> -> memref<1x!tpu.dma_semaphore, #tpu.memory_space<semaphore_mem>>
    %dma_wait3A_213 = tpu.memref_squeeze %dma_wait3A_212 : memref<1x!tpu.dma_semaphore, #tpu.memory_space<semaphore_mem>> -> memref<!tpu.dma_semaphore, #tpu.memory_space<semaphore_mem>>
    %dma_wait3A_214 = arith.constant 16384 : i32
    %dma_wait3A_215 = tpu.memref_slice %arg7[%dma_wait3A_214] : memref<32768xi32, #tpu.memory_space<vmem>> -> memref<4096xi32, #tpu.memory_space<vmem>>
    %dma_wait3A_216 = tpu.memref_slice %arg3[%add3A_184] : memref<1048576xi32, #tpu.memory_space<hbm>> -> memref<4096xi32, #tpu.memory_space<hbm>>
    tpu.wait_dma2 semaphore(%dma_wait3A_213 : memref<!tpu.dma_semaphore, #tpu.memory_space<semaphore_mem>>) src(%dma_wait3A_216 : memref<4096xi32, #tpu.memory_space<hbm>>) dst(%dma_wait3A_215 : memref<4096xi32, #tpu.memory_space<vmem>>)
    %dma_wait3A_217 = arith.constant 4 : i32
    %dma_wait3A_218 = arith.constant 16384 : i32
    %dma_wait3A_219 = tpu.memref_slice %arg8[%dma_wait3A_218] : memref<32768xi32, #tpu.memory_space<vmem>> -> memref<4096xi32, #tpu.memory_space<vmem>>
    %dma_wait3A_220 = tpu.memref_slice %arg4[%add3A_195] : memref<1048576xi32, #tpu.memory_space<hbm>> -> memref<4096xi32, #tpu.memory_space<hbm>>
    %dma_wait3A_221 = tpu.memref_slice %arg11[%dma_wait3A_217] : memref<8x!tpu.dma_semaphore, #tpu.memory_space<semaphore_mem>> -> memref<1x!tpu.dma_semaphore, #tpu.memory_space<semaphore_mem>>
    %dma_wait3A_222 = tpu.memref_squeeze %dma_wait3A_221 : memref<1x!tpu.dma_semaphore, #tpu.memory_space<semaphore_mem>> -> memref<!tpu.dma_semaphore, #tpu.memory_space<semaphore_mem>>
    %dma_wait3A_223 = arith.constant 16384 : i32
    %dma_wait3A_224 = tpu.memref_slice %arg8[%dma_wait3A_223] : memref<32768xi32, #tpu.memory_space<vmem>> -> memref<4096xi32, #tpu.memory_space<vmem>>
    %dma_wait3A_225 = tpu.memref_slice %arg4[%add3A_195] : memref<1048576xi32, #tpu.memory_space<hbm>> -> memref<4096xi32, #tpu.memory_space<hbm>>
    tpu.wait_dma2 semaphore(%dma_wait3A_222 : memref<!tpu.dma_semaphore, #tpu.memory_space<semaphore_mem>>) src(%dma_wait3A_225 : memref<4096xi32, #tpu.memory_space<hbm>>) dst(%dma_wait3A_224 : memref<4096xi32, #tpu.memory_space<vmem>>)
    "tpu.trace_stop"() : () -> ()
    %add3A_226 = arith.constant 20480 : i32
    %add3A_227 = arith.addi %mul3A_2, %add3A_226 : i32
    %dma_start3A_228 = arith.constant 5 : i32
    %dma_start3A_229 = arith.constant 20480 : i32
    %dma_start3A_230 = tpu.memref_slice %arg7[%dma_start3A_229] : memref<32768xi32, #tpu.memory_space<vmem>> -> memref<4096xi32, #tpu.memory_space<vmem>>
    %dma_start3A_231 = tpu.memref_slice %arg3[%add3A_227] : memref<1048576xi32, #tpu.memory_space<hbm>> -> memref<4096xi32, #tpu.memory_space<hbm>>
    %dma_start3A_232 = tpu.memref_slice %arg11[%dma_start3A_228] : memref<8x!tpu.dma_semaphore, #tpu.memory_space<semaphore_mem>> -> memref<1x!tpu.dma_semaphore, #tpu.memory_space<semaphore_mem>>
    %dma_start3A_233 = tpu.memref_squeeze %dma_start3A_232 : memref<1x!tpu.dma_semaphore, #tpu.memory_space<semaphore_mem>> -> memref<!tpu.dma_semaphore, #tpu.memory_space<semaphore_mem>>
    %dma_start3A_234 = arith.constant 20480 : i32
    %dma_start3A_235 = tpu.memref_slice %arg7[%dma_start3A_234] : memref<32768xi32, #tpu.memory_space<vmem>> -> memref<4096xi32, #tpu.memory_space<vmem>>
    %dma_start3A_236 = tpu.memref_slice %arg3[%add3A_227] : memref<1048576xi32, #tpu.memory_space<hbm>> -> memref<4096xi32, #tpu.memory_space<hbm>>
    tpu.enqueue_dma source(%dma_start3A_236 : memref<4096xi32, #tpu.memory_space<hbm>>) target(%dma_start3A_235 : memref<4096xi32, #tpu.memory_space<vmem>>) target_semaphore(%dma_start3A_233 : memref<!tpu.dma_semaphore, #tpu.memory_space<semaphore_mem>>)
    %add3A_237 = arith.constant 20480 : i32
    %add3A_238 = arith.addi %mul3A_2, %add3A_237 : i32
    %dma_start3A_239 = arith.constant 5 : i32
    %dma_start3A_240 = arith.constant 20480 : i32
    %dma_start3A_241 = tpu.memref_slice %arg8[%dma_start3A_240] : memref<32768xi32, #tpu.memory_space<vmem>> -> memref<4096xi32, #tpu.memory_space<vmem>>
    %dma_start3A_242 = tpu.memref_slice %arg4[%add3A_238] : memref<1048576xi32, #tpu.memory_space<hbm>> -> memref<4096xi32, #tpu.memory_space<hbm>>
    %dma_start3A_243 = tpu.memref_slice %arg11[%dma_start3A_239] : memref<8x!tpu.dma_semaphore, #tpu.memory_space<semaphore_mem>> -> memref<1x!tpu.dma_semaphore, #tpu.memory_space<semaphore_mem>>
    %dma_start3A_244 = tpu.memref_squeeze %dma_start3A_243 : memref<1x!tpu.dma_semaphore, #tpu.memory_space<semaphore_mem>> -> memref<!tpu.dma_semaphore, #tpu.memory_space<semaphore_mem>>
    %dma_start3A_245 = arith.constant 20480 : i32
    %dma_start3A_246 = tpu.memref_slice %arg8[%dma_start3A_245] : memref<32768xi32, #tpu.memory_space<vmem>> -> memref<4096xi32, #tpu.memory_space<vmem>>
    %dma_start3A_247 = tpu.memref_slice %arg4[%add3A_238] : memref<1048576xi32, #tpu.memory_space<hbm>> -> memref<4096xi32, #tpu.memory_space<hbm>>
    tpu.enqueue_dma source(%dma_start3A_247 : memref<4096xi32, #tpu.memory_space<hbm>>) target(%dma_start3A_246 : memref<4096xi32, #tpu.memory_space<vmem>>) target_semaphore(%dma_start3A_244 : memref<!tpu.dma_semaphore, #tpu.memory_space<semaphore_mem>>)
    %parallel_loop3A_248 = arith.constant 1024 : i32
    %parallel_loop3A_249 = arith.constant 1280 : i32
    %parallel_loop3A_250 = arith.constant 1 : i32
    "tpu.trace_start"() <{level = 10 : i32, message = "main4"}> : () -> ()
    scf.for %parallel_loop3A_358 = %parallel_loop3A_248 to %parallel_loop3A_249 step %parallel_loop3A_250  : i32 {
      %parallel_loop3A_359 = arith.constant 16 : i32
      %parallel_loop3A_360 = arith.muli %parallel_loop3A_358, %parallel_loop3A_359 : i32
      %parallel_loop3A_361 = tpu.assume_multiple %parallel_loop3A_360, 16 : i32
      %parallel_loop3A_362 = arith.index_cast %parallel_loop3A_361 : i32 to index
      %parallel_loop3A_363 = tpu.vector_load %arg7[%parallel_loop3A_362] {strides = array<i32>} : memref<32768xi32, #tpu.memory_space<vmem>>, vector<16xi32>,
      %parallel_loop3A_364 = arith.index_cast %parallel_loop3A_361 : i32 to index
      %parallel_loop3A_365 = tpu.vector_load %arg8[%parallel_loop3A_364] {strides = array<i32>} : memref<32768xi32, #tpu.memory_space<vmem>>, vector<16xi32>,
      %parallel_loop3A_366 = tpu.vector_load_idx %arg6[%broadcast_in_dim3A_37, %parallel_loop3A_363] : memref<1x100xf32, #tpu.memory_space<vmem>>[vector<16xi32>, vector<16xi32>], vector<16xf32>,
      %parallel_loop3A_367 = arith.constant true
      %parallel_loop3A_368 = vector.broadcast %parallel_loop3A_367 : i1 to vector<16xi1>
      %parallel_loop3A_369 = tpu.scan <sum>, %parallel_loop3A_366 masked %parallel_loop3A_368 : vector<16xf32>, vector<16xi1> -> vector<16xf32>
      %parallel_loop3A_370 = vector.shape_cast %min3A_33 : vector<16xi32> to vector<16x1xi32>
      %parallel_loop3A_371 = vector.shape_cast %parallel_loop3A_370 : vector<16x1xi32> to vector<16xi32>
      %parallel_loop3A_372 = tpu.dynamic_gather %parallel_loop3A_365[%parallel_loop3A_371] in [0] : vector<16xi32>, vector<16xi32> -> vector<16xi32>
      %parallel_loop3A_373 = arith.cmpi ne, %parallel_loop3A_365, %parallel_loop3A_372 : vector<16xi32>
      %parallel_loop3A_374 = arith.ori %parallel_loop3A_373, %eq3A_35 : vector<16xi1>
      tpu.vector_store_idx %arg9[%parallel_loop3A_365], %parallel_loop3A_369 masked %parallel_loop3A_374 {add = true} : memref<16384xf32, #tpu.memory_space<vmem>>[vector<16xi32>], vector<16xf32>, vector<16xi1>
      %parallel_loop3A_375 = arith.constant 0.000000e+00 : f32
      %parallel_loop3A_376 = vector.broadcast %parallel_loop3A_375 : f32 to vector<16xf32>
      %parallel_loop3A_377 = arith.subf %parallel_loop3A_376, %parallel_loop3A_369 : vector<16xf32>
      tpu.vector_store_idx %arg9[%parallel_loop3A_372], %parallel_loop3A_377 masked %parallel_loop3A_373 {add = true} : memref<16384xf32, #tpu.memory_space<vmem>>[vector<16xi32>], vector<16xf32>, vector<16xi1>
    } {sc.loop_unroll_factor = 8 : i64, sc.parallel_access}
    %dma_wait3A_251 = arith.constant 5 : i32
    "tpu.trace_stop"() : () -> ()
    "tpu.trace_start"() <{level = 10 : i32, message = "wait5"}> : () -> ()
    %dma_wait3A_252 = arith.constant 20480 : i32
    %dma_wait3A_253 = tpu.memref_slice %arg7[%dma_wait3A_252] : memref<32768xi32, #tpu.memory_space<vmem>> -> memref<4096xi32, #tpu.memory_space<vmem>>
    %dma_wait3A_254 = tpu.memref_slice %arg3[%add3A_227] : memref<1048576xi32, #tpu.memory_space<hbm>> -> memref<4096xi32, #tpu.memory_space<hbm>>
    %dma_wait3A_255 = tpu.memref_slice %arg11[%dma_wait3A_251] : memref<8x!tpu.dma_semaphore, #tpu.memory_space<semaphore_mem>> -> memref<1x!tpu.dma_semaphore, #tpu.memory_space<semaphore_mem>>
    %dma_wait3A_256 = tpu.memref_squeeze %dma_wait3A_255 : memref<1x!tpu.dma_semaphore, #tpu.memory_space<semaphore_mem>> -> memref<!tpu.dma_semaphore, #tpu.memory_space<semaphore_mem>>
    %dma_wait3A_257 = arith.constant 20480 : i32
    %dma_wait3A_258 = tpu.memref_slice %arg7[%dma_wait3A_257] : memref<32768xi32, #tpu.memory_space<vmem>> -> memref<4096xi32, #tpu.memory_space<vmem>>
    %dma_wait3A_259 = tpu.memref_slice %arg3[%add3A_227] : memref<1048576xi32, #tpu.memory_space<hbm>> -> memref<4096xi32, #tpu.memory_space<hbm>>
    tpu.wait_dma2 semaphore(%dma_wait3A_256 : memref<!tpu.dma_semaphore, #tpu.memory_space<semaphore_mem>>) src(%dma_wait3A_259 : memref<4096xi32, #tpu.memory_space<hbm>>) dst(%dma_wait3A_258 : memref<4096xi32, #tpu.memory_space<vmem>>)
    %dma_wait3A_260 = arith.constant 5 : i32
    %dma_wait3A_261 = arith.constant 20480 : i32
    %dma_wait3A_262 = tpu.memref_slice %arg8[%dma_wait3A_261] : memref<32768xi32, #tpu.memory_space<vmem>> -> memref<4096xi32, #tpu.memory_space<vmem>>
    %dma_wait3A_263 = tpu.memref_slice %arg4[%add3A_238] : memref<1048576xi32, #tpu.memory_space<hbm>> -> memref<4096xi32, #tpu.memory_space<hbm>>
    %dma_wait3A_264 = tpu.memref_slice %arg11[%dma_wait3A_260] : memref<8x!tpu.dma_semaphore, #tpu.memory_space<semaphore_mem>> -> memref<1x!tpu.dma_semaphore, #tpu.memory_space<semaphore_mem>>
    %dma_wait3A_265 = tpu.memref_squeeze %dma_wait3A_264 : memref<1x!tpu.dma_semaphore, #tpu.memory_space<semaphore_mem>> -> memref<!tpu.dma_semaphore, #tpu.memory_space<semaphore_mem>>
    %dma_wait3A_266 = arith.constant 20480 : i32
    %dma_wait3A_267 = tpu.memref_slice %arg8[%dma_wait3A_266] : memref<32768xi32, #tpu.memory_space<vmem>> -> memref<4096xi32, #tpu.memory_space<vmem>>
    %dma_wait3A_268 = tpu.memref_slice %arg4[%add3A_238] : memref<1048576xi32, #tpu.memory_space<hbm>> -> memref<4096xi32, #tpu.memory_space<hbm>>
    tpu.wait_dma2 semaphore(%dma_wait3A_265 : memref<!tpu.dma_semaphore, #tpu.memory_space<semaphore_mem>>) src(%dma_wait3A_268 : memref<4096xi32, #tpu.memory_space<hbm>>) dst(%dma_wait3A_267 : memref<4096xi32, #tpu.memory_space<vmem>>)
    "tpu.trace_stop"() : () -> ()
    %add3A_269 = arith.constant 24576 : i32
    %add3A_270 = arith.addi %mul3A_2, %add3A_269 : i32
    %dma_start3A_271 = arith.constant 6 : i32
    %dma_start3A_272 = arith.constant 24576 : i32
    %dma_start3A_273 = tpu.memref_slice %arg7[%dma_start3A_272] : memref<32768xi32, #tpu.memory_space<vmem>> -> memref<4096xi32, #tpu.memory_space<vmem>>
    %dma_start3A_274 = tpu.memref_slice %arg3[%add3A_270] : memref<1048576xi32, #tpu.memory_space<hbm>> -> memref<4096xi32, #tpu.memory_space<hbm>>
    %dma_start3A_275 = tpu.memref_slice %arg11[%dma_start3A_271] : memref<8x!tpu.dma_semaphore, #tpu.memory_space<semaphore_mem>> -> memref<1x!tpu.dma_semaphore, #tpu.memory_space<semaphore_mem>>
    %dma_start3A_276 = tpu.memref_squeeze %dma_start3A_275 : memref<1x!tpu.dma_semaphore, #tpu.memory_space<semaphore_mem>> -> memref<!tpu.dma_semaphore, #tpu.memory_space<semaphore_mem>>
    %dma_start3A_277 = arith.constant 24576 : i32
    %dma_start3A_278 = tpu.memref_slice %arg7[%dma_start3A_277] : memref<32768xi32, #tpu.memory_space<vmem>> -> memref<4096xi32, #tpu.memory_space<vmem>>
    %dma_start3A_279 = tpu.memref_slice %arg3[%add3A_270] : memref<1048576xi32, #tpu.memory_space<hbm>> -> memref<4096xi32, #tpu.memory_space<hbm>>
    tpu.enqueue_dma source(%dma_start3A_279 : memref<4096xi32, #tpu.memory_space<hbm>>) target(%dma_start3A_278 : memref<4096xi32, #tpu.memory_space<vmem>>) target_semaphore(%dma_start3A_276 : memref<!tpu.dma_semaphore, #tpu.memory_space<semaphore_mem>>)
    %add3A_280 = arith.constant 24576 : i32
    %add3A_281 = arith.addi %mul3A_2, %add3A_280 : i32
    %dma_start3A_282 = arith.constant 6 : i32
    %dma_start3A_283 = arith.constant 24576 : i32
    %dma_start3A_284 = tpu.memref_slice %arg8[%dma_start3A_283] : memref<32768xi32, #tpu.memory_space<vmem>> -> memref<4096xi32, #tpu.memory_space<vmem>>
    %dma_start3A_285 = tpu.memref_slice %arg4[%add3A_281] : memref<1048576xi32, #tpu.memory_space<hbm>> -> memref<4096xi32, #tpu.memory_space<hbm>>
    %dma_start3A_286 = tpu.memref_slice %arg11[%dma_start3A_282] : memref<8x!tpu.dma_semaphore, #tpu.memory_space<semaphore_mem>> -> memref<1x!tpu.dma_semaphore, #tpu.memory_space<semaphore_mem>>
    %dma_start3A_287 = tpu.memref_squeeze %dma_start3A_286 : memref<1x!tpu.dma_semaphore, #tpu.memory_space<semaphore_mem>> -> memref<!tpu.dma_semaphore, #tpu.memory_space<semaphore_mem>>
    %dma_start3A_288 = arith.constant 24576 : i32
    %dma_start3A_289 = tpu.memref_slice %arg8[%dma_start3A_288] : memref<32768xi32, #tpu.memory_space<vmem>> -> memref<4096xi32, #tpu.memory_space<vmem>>
    %dma_start3A_290 = tpu.memref_slice %arg4[%add3A_281] : memref<1048576xi32, #tpu.memory_space<hbm>> -> memref<4096xi32, #tpu.memory_space<hbm>>
    tpu.enqueue_dma source(%dma_start3A_290 : memref<4096xi32, #tpu.memory_space<hbm>>) target(%dma_start3A_289 : memref<4096xi32, #tpu.memory_space<vmem>>) target_semaphore(%dma_start3A_287 : memref<!tpu.dma_semaphore, #tpu.memory_space<semaphore_mem>>)
    %parallel_loop3A_291 = arith.constant 1280 : i32
    %parallel_loop3A_292 = arith.constant 1536 : i32
    %parallel_loop3A_293 = arith.constant 1 : i32
    "tpu.trace_start"() <{level = 10 : i32, message = "main5"}> : () -> ()
    scf.for %parallel_loop3A_358 = %parallel_loop3A_291 to %parallel_loop3A_292 step %parallel_loop3A_293  : i32 {
      %parallel_loop3A_359 = arith.constant 16 : i32
      %parallel_loop3A_360 = arith.muli %parallel_loop3A_358, %parallel_loop3A_359 : i32
      %parallel_loop3A_361 = tpu.assume_multiple %parallel_loop3A_360, 16 : i32
      %parallel_loop3A_362 = arith.index_cast %parallel_loop3A_361 : i32 to index
      %parallel_loop3A_363 = tpu.vector_load %arg7[%parallel_loop3A_362] {strides = array<i32>} : memref<32768xi32, #tpu.memory_space<vmem>>, vector<16xi32>,
      %parallel_loop3A_364 = arith.index_cast %parallel_loop3A_361 : i32 to index
      %parallel_loop3A_365 = tpu.vector_load %arg8[%parallel_loop3A_364] {strides = array<i32>} : memref<32768xi32, #tpu.memory_space<vmem>>, vector<16xi32>,
      %parallel_loop3A_366 = tpu.vector_load_idx %arg6[%broadcast_in_dim3A_37, %parallel_loop3A_363] : memref<1x100xf32, #tpu.memory_space<vmem>>[vector<16xi32>, vector<16xi32>], vector<16xf32>,
      %parallel_loop3A_367 = arith.constant true
      %parallel_loop3A_368 = vector.broadcast %parallel_loop3A_367 : i1 to vector<16xi1>
      %parallel_loop3A_369 = tpu.scan <sum>, %parallel_loop3A_366 masked %parallel_loop3A_368 : vector<16xf32>, vector<16xi1> -> vector<16xf32>
      %parallel_loop3A_370 = vector.shape_cast %min3A_33 : vector<16xi32> to vector<16x1xi32>
      %parallel_loop3A_371 = vector.shape_cast %parallel_loop3A_370 : vector<16x1xi32> to vector<16xi32>
      %parallel_loop3A_372 = tpu.dynamic_gather %parallel_loop3A_365[%parallel_loop3A_371] in [0] : vector<16xi32>, vector<16xi32> -> vector<16xi32>
      %parallel_loop3A_373 = arith.cmpi ne, %parallel_loop3A_365, %parallel_loop3A_372 : vector<16xi32>
      %parallel_loop3A_374 = arith.ori %parallel_loop3A_373, %eq3A_35 : vector<16xi1>
      tpu.vector_store_idx %arg9[%parallel_loop3A_365], %parallel_loop3A_369 masked %parallel_loop3A_374 {add = true} : memref<16384xf32, #tpu.memory_space<vmem>>[vector<16xi32>], vector<16xf32>, vector<16xi1>
      %parallel_loop3A_375 = arith.constant 0.000000e+00 : f32
      %parallel_loop3A_376 = vector.broadcast %parallel_loop3A_375 : f32 to vector<16xf32>
      %parallel_loop3A_377 = arith.subf %parallel_loop3A_376, %parallel_loop3A_369 : vector<16xf32>
      tpu.vector_store_idx %arg9[%parallel_loop3A_372], %parallel_loop3A_377 masked %parallel_loop3A_373 {add = true} : memref<16384xf32, #tpu.memory_space<vmem>>[vector<16xi32>], vector<16xf32>, vector<16xi1>
    } {sc.loop_unroll_factor = 8 : i64, sc.parallel_access}
    %dma_wait3A_294 = arith.constant 6 : i32
    "tpu.trace_stop"() : () -> ()
    "tpu.trace_start"() <{level = 10 : i32, message = "wait6"}> : () -> ()
    %dma_wait3A_295 = arith.constant 24576 : i32
    %dma_wait3A_296 = tpu.memref_slice %arg7[%dma_wait3A_295] : memref<32768xi32, #tpu.memory_space<vmem>> -> memref<4096xi32, #tpu.memory_space<vmem>>
    %dma_wait3A_297 = tpu.memref_slice %arg3[%add3A_270] : memref<1048576xi32, #tpu.memory_space<hbm>> -> memref<4096xi32, #tpu.memory_space<hbm>>
    %dma_wait3A_298 = tpu.memref_slice %arg11[%dma_wait3A_294] : memref<8x!tpu.dma_semaphore, #tpu.memory_space<semaphore_mem>> -> memref<1x!tpu.dma_semaphore, #tpu.memory_space<semaphore_mem>>
    %dma_wait3A_299 = tpu.memref_squeeze %dma_wait3A_298 : memref<1x!tpu.dma_semaphore, #tpu.memory_space<semaphore_mem>> -> memref<!tpu.dma_semaphore, #tpu.memory_space<semaphore_mem>>
    %dma_wait3A_300 = arith.constant 24576 : i32
    %dma_wait3A_301 = tpu.memref_slice %arg7[%dma_wait3A_300] : memref<32768xi32, #tpu.memory_space<vmem>> -> memref<4096xi32, #tpu.memory_space<vmem>>
    %dma_wait3A_302 = tpu.memref_slice %arg3[%add3A_270] : memref<1048576xi32, #tpu.memory_space<hbm>> -> memref<4096xi32, #tpu.memory_space<hbm>>
    tpu.wait_dma2 semaphore(%dma_wait3A_299 : memref<!tpu.dma_semaphore, #tpu.memory_space<semaphore_mem>>) src(%dma_wait3A_302 : memref<4096xi32, #tpu.memory_space<hbm>>) dst(%dma_wait3A_301 : memref<4096xi32, #tpu.memory_space<vmem>>)
    %dma_wait3A_303 = arith.constant 6 : i32
    %dma_wait3A_304 = arith.constant 24576 : i32
    %dma_wait3A_305 = tpu.memref_slice %arg8[%dma_wait3A_304] : memref<32768xi32, #tpu.memory_space<vmem>> -> memref<4096xi32, #tpu.memory_space<vmem>>
    %dma_wait3A_306 = tpu.memref_slice %arg4[%add3A_281] : memref<1048576xi32, #tpu.memory_space<hbm>> -> memref<4096xi32, #tpu.memory_space<hbm>>
    %dma_wait3A_307 = tpu.memref_slice %arg11[%dma_wait3A_303] : memref<8x!tpu.dma_semaphore, #tpu.memory_space<semaphore_mem>> -> memref<1x!tpu.dma_semaphore, #tpu.memory_space<semaphore_mem>>
    %dma_wait3A_308 = tpu.memref_squeeze %dma_wait3A_307 : memref<1x!tpu.dma_semaphore, #tpu.memory_space<semaphore_mem>> -> memref<!tpu.dma_semaphore, #tpu.memory_space<semaphore_mem>>
    %dma_wait3A_309 = arith.constant 24576 : i32
    %dma_wait3A_310 = tpu.memref_slice %arg8[%dma_wait3A_309] : memref<32768xi32, #tpu.memory_space<vmem>> -> memref<4096xi32, #tpu.memory_space<vmem>>
    %dma_wait3A_311 = tpu.memref_slice %arg4[%add3A_281] : memref<1048576xi32, #tpu.memory_space<hbm>> -> memref<4096xi32, #tpu.memory_space<hbm>>
    tpu.wait_dma2 semaphore(%dma_wait3A_308 : memref<!tpu.dma_semaphore, #tpu.memory_space<semaphore_mem>>) src(%dma_wait3A_311 : memref<4096xi32, #tpu.memory_space<hbm>>) dst(%dma_wait3A_310 : memref<4096xi32, #tpu.memory_space<vmem>>)
    "tpu.trace_stop"() : () -> ()
    %add3A_312 = arith.constant 28672 : i32
    %add3A_313 = arith.addi %mul3A_2, %add3A_312 : i32
    %dma_start3A_314 = arith.constant 7 : i32
    %dma_start3A_315 = arith.constant 28672 : i32
    %dma_start3A_316 = tpu.memref_slice %arg7[%dma_start3A_315] : memref<32768xi32, #tpu.memory_space<vmem>> -> memref<4096xi32, #tpu.memory_space<vmem>>
    %dma_start3A_317 = tpu.memref_slice %arg3[%add3A_313] : memref<1048576xi32, #tpu.memory_space<hbm>> -> memref<4096xi32, #tpu.memory_space<hbm>>
    %dma_start3A_318 = tpu.memref_slice %arg11[%dma_start3A_314] : memref<8x!tpu.dma_semaphore, #tpu.memory_space<semaphore_mem>> -> memref<1x!tpu.dma_semaphore, #tpu.memory_space<semaphore_mem>>
    %dma_start3A_319 = tpu.memref_squeeze %dma_start3A_318 : memref<1x!tpu.dma_semaphore, #tpu.memory_space<semaphore_mem>> -> memref<!tpu.dma_semaphore, #tpu.memory_space<semaphore_mem>>
    %dma_start3A_320 = arith.constant 28672 : i32
    %dma_start3A_321 = tpu.memref_slice %arg7[%dma_start3A_320] : memref<32768xi32, #tpu.memory_space<vmem>> -> memref<4096xi32, #tpu.memory_space<vmem>>
    %dma_start3A_322 = tpu.memref_slice %arg3[%add3A_313] : memref<1048576xi32, #tpu.memory_space<hbm>> -> memref<4096xi32, #tpu.memory_space<hbm>>
    tpu.enqueue_dma source(%dma_start3A_322 : memref<4096xi32, #tpu.memory_space<hbm>>) target(%dma_start3A_321 : memref<4096xi32, #tpu.memory_space<vmem>>) target_semaphore(%dma_start3A_319 : memref<!tpu.dma_semaphore, #tpu.memory_space<semaphore_mem>>)
    %add3A_323 = arith.constant 28672 : i32
    %add3A_324 = arith.addi %mul3A_2, %add3A_323 : i32
    %dma_start3A_325 = arith.constant 7 : i32
    %dma_start3A_326 = arith.constant 28672 : i32
    %dma_start3A_327 = tpu.memref_slice %arg8[%dma_start3A_326] : memref<32768xi32, #tpu.memory_space<vmem>> -> memref<4096xi32, #tpu.memory_space<vmem>>
    %dma_start3A_328 = tpu.memref_slice %arg4[%add3A_324] : memref<1048576xi32, #tpu.memory_space<hbm>> -> memref<4096xi32, #tpu.memory_space<hbm>>
    %dma_start3A_329 = tpu.memref_slice %arg11[%dma_start3A_325] : memref<8x!tpu.dma_semaphore, #tpu.memory_space<semaphore_mem>> -> memref<1x!tpu.dma_semaphore, #tpu.memory_space<semaphore_mem>>
    %dma_start3A_330 = tpu.memref_squeeze %dma_start3A_329 : memref<1x!tpu.dma_semaphore, #tpu.memory_space<semaphore_mem>> -> memref<!tpu.dma_semaphore, #tpu.memory_space<semaphore_mem>>
    %dma_start3A_331 = arith.constant 28672 : i32
    %dma_start3A_332 = tpu.memref_slice %arg8[%dma_start3A_331] : memref<32768xi32, #tpu.memory_space<vmem>> -> memref<4096xi32, #tpu.memory_space<vmem>>
    %dma_start3A_333 = tpu.memref_slice %arg4[%add3A_324] : memref<1048576xi32, #tpu.memory_space<hbm>> -> memref<4096xi32, #tpu.memory_space<hbm>>
    tpu.enqueue_dma source(%dma_start3A_333 : memref<4096xi32, #tpu.memory_space<hbm>>) target(%dma_start3A_332 : memref<4096xi32, #tpu.memory_space<vmem>>) target_semaphore(%dma_start3A_330 : memref<!tpu.dma_semaphore, #tpu.memory_space<semaphore_mem>>)
    %parallel_loop3A_334 = arith.constant 1536 : i32
    %parallel_loop3A_335 = arith.constant 1792 : i32
    %parallel_loop3A_336 = arith.constant 1 : i32
    "tpu.trace_start"() <{level = 10 : i32, message = "main6"}> : () -> ()
    scf.for %parallel_loop3A_358 = %parallel_loop3A_334 to %parallel_loop3A_335 step %parallel_loop3A_336  : i32 {
      %parallel_loop3A_359 = arith.constant 16 : i32
      %parallel_loop3A_360 = arith.muli %parallel_loop3A_358, %parallel_loop3A_359 : i32
      %parallel_loop3A_361 = tpu.assume_multiple %parallel_loop3A_360, 16 : i32
      %parallel_loop3A_362 = arith.index_cast %parallel_loop3A_361 : i32 to index
      %parallel_loop3A_363 = tpu.vector_load %arg7[%parallel_loop3A_362] {strides = array<i32>} : memref<32768xi32, #tpu.memory_space<vmem>>, vector<16xi32>,
      %parallel_loop3A_364 = arith.index_cast %parallel_loop3A_361 : i32 to index
      %parallel_loop3A_365 = tpu.vector_load %arg8[%parallel_loop3A_364] {strides = array<i32>} : memref<32768xi32, #tpu.memory_space<vmem>>, vector<16xi32>,
      %parallel_loop3A_366 = tpu.vector_load_idx %arg6[%broadcast_in_dim3A_37, %parallel_loop3A_363] : memref<1x100xf32, #tpu.memory_space<vmem>>[vector<16xi32>, vector<16xi32>], vector<16xf32>,
      %parallel_loop3A_367 = arith.constant true
      %parallel_loop3A_368 = vector.broadcast %parallel_loop3A_367 : i1 to vector<16xi1>
      %parallel_loop3A_369 = tpu.scan <sum>, %parallel_loop3A_366 masked %parallel_loop3A_368 : vector<16xf32>, vector<16xi1> -> vector<16xf32>
      %parallel_loop3A_370 = vector.shape_cast %min3A_33 : vector<16xi32> to vector<16x1xi32>
      %parallel_loop3A_371 = vector.shape_cast %parallel_loop3A_370 : vector<16x1xi32> to vector<16xi32>
      %parallel_loop3A_372 = tpu.dynamic_gather %parallel_loop3A_365[%parallel_loop3A_371] in [0] : vector<16xi32>, vector<16xi32> -> vector<16xi32>
      %parallel_loop3A_373 = arith.cmpi ne, %parallel_loop3A_365, %parallel_loop3A_372 : vector<16xi32>
      %parallel_loop3A_374 = arith.ori %parallel_loop3A_373, %eq3A_35 : vector<16xi1>
      tpu.vector_store_idx %arg9[%parallel_loop3A_365], %parallel_loop3A_369 masked %parallel_loop3A_374 {add = true} : memref<16384xf32, #tpu.memory_space<vmem>>[vector<16xi32>], vector<16xf32>, vector<16xi1>
      %parallel_loop3A_375 = arith.constant 0.000000e+00 : f32
      %parallel_loop3A_376 = vector.broadcast %parallel_loop3A_375 : f32 to vector<16xf32>
      %parallel_loop3A_377 = arith.subf %parallel_loop3A_376, %parallel_loop3A_369 : vector<16xf32>
      tpu.vector_store_idx %arg9[%parallel_loop3A_372], %parallel_loop3A_377 masked %parallel_loop3A_373 {add = true} : memref<16384xf32, #tpu.memory_space<vmem>>[vector<16xi32>], vector<16xf32>, vector<16xi1>
    } {sc.loop_unroll_factor = 8 : i64, sc.parallel_access}
    %dma_wait3A_337 = arith.constant 7 : i32
    "tpu.trace_stop"() : () -> ()
    "tpu.trace_start"() <{level = 10 : i32, message = "wait7"}> : () -> ()
    %dma_wait3A_338 = arith.constant 28672 : i32
    %dma_wait3A_339 = tpu.memref_slice %arg7[%dma_wait3A_338] : memref<32768xi32, #tpu.memory_space<vmem>> -> memref<4096xi32, #tpu.memory_space<vmem>>
    %dma_wait3A_340 = tpu.memref_slice %arg3[%add3A_313] : memref<1048576xi32, #tpu.memory_space<hbm>> -> memref<4096xi32, #tpu.memory_space<hbm>>
    %dma_wait3A_341 = tpu.memref_slice %arg11[%dma_wait3A_337] : memref<8x!tpu.dma_semaphore, #tpu.memory_space<semaphore_mem>> -> memref<1x!tpu.dma_semaphore, #tpu.memory_space<semaphore_mem>>
    %dma_wait3A_342 = tpu.memref_squeeze %dma_wait3A_341 : memref<1x!tpu.dma_semaphore, #tpu.memory_space<semaphore_mem>> -> memref<!tpu.dma_semaphore, #tpu.memory_space<semaphore_mem>>
    %dma_wait3A_343 = arith.constant 28672 : i32
    %dma_wait3A_344 = tpu.memref_slice %arg7[%dma_wait3A_343] : memref<32768xi32, #tpu.memory_space<vmem>> -> memref<4096xi32, #tpu.memory_space<vmem>>
    %dma_wait3A_345 = tpu.memref_slice %arg3[%add3A_313] : memref<1048576xi32, #tpu.memory_space<hbm>> -> memref<4096xi32, #tpu.memory_space<hbm>>
    tpu.wait_dma2 semaphore(%dma_wait3A_342 : memref<!tpu.dma_semaphore, #tpu.memory_space<semaphore_mem>>) src(%dma_wait3A_345 : memref<4096xi32, #tpu.memory_space<hbm>>) dst(%dma_wait3A_344 : memref<4096xi32, #tpu.memory_space<vmem>>)
    %dma_wait3A_346 = arith.constant 7 : i32
    %dma_wait3A_347 = arith.constant 28672 : i32
    %dma_wait3A_348 = tpu.memref_slice %arg8[%dma_wait3A_347] : memref<32768xi32, #tpu.memory_space<vmem>> -> memref<4096xi32, #tpu.memory_space<vmem>>
    %dma_wait3A_349 = tpu.memref_slice %arg4[%add3A_324] : memref<1048576xi32, #tpu.memory_space<hbm>> -> memref<4096xi32, #tpu.memory_space<hbm>>
    %dma_wait3A_350 = tpu.memref_slice %arg11[%dma_wait3A_346] : memref<8x!tpu.dma_semaphore, #tpu.memory_space<semaphore_mem>> -> memref<1x!tpu.dma_semaphore, #tpu.memory_space<semaphore_mem>>
    %dma_wait3A_351 = tpu.memref_squeeze %dma_wait3A_350 : memref<1x!tpu.dma_semaphore, #tpu.memory_space<semaphore_mem>> -> memref<!tpu.dma_semaphore, #tpu.memory_space<semaphore_mem>>
    %dma_wait3A_352 = arith.constant 28672 : i32
    %dma_wait3A_353 = tpu.memref_slice %arg8[%dma_wait3A_352] : memref<32768xi32, #tpu.memory_space<vmem>> -> memref<4096xi32, #tpu.memory_space<vmem>>
    %dma_wait3A_354 = tpu.memref_slice %arg4[%add3A_324] : memref<1048576xi32, #tpu.memory_space<hbm>> -> memref<4096xi32, #tpu.memory_space<hbm>>
    tpu.wait_dma2 semaphore(%dma_wait3A_351 : memref<!tpu.dma_semaphore, #tpu.memory_space<semaphore_mem>>) src(%dma_wait3A_354 : memref<4096xi32, #tpu.memory_space<hbm>>) dst(%dma_wait3A_353 : memref<4096xi32, #tpu.memory_space<vmem>>)
    %parallel_loop3A_355 = arith.constant 1792 : i32
    %parallel_loop3A_356 = arith.constant 2048 : i32
    %parallel_loop3A_357 = arith.constant 1 : i32
    "tpu.trace_stop"() : () -> ()
    "tpu.trace_start"() <{level = 10 : i32, message = "main7"}> : () -> ()
    scf.for %parallel_loop3A_358 = %parallel_loop3A_355 to %parallel_loop3A_356 step %parallel_loop3A_357  : i32 {
      %parallel_loop3A_359 = arith.constant 16 : i32
      %parallel_loop3A_360 = arith.muli %parallel_loop3A_358, %parallel_loop3A_359 : i32
      %parallel_loop3A_361 = tpu.assume_multiple %parallel_loop3A_360, 16 : i32
      %parallel_loop3A_362 = arith.index_cast %parallel_loop3A_361 : i32 to index
      %parallel_loop3A_363 = tpu.vector_load %arg7[%parallel_loop3A_362] {strides = array<i32>} : memref<32768xi32, #tpu.memory_space<vmem>>, vector<16xi32>,
      %parallel_loop3A_364 = arith.index_cast %parallel_loop3A_361 : i32 to index
      %parallel_loop3A_365 = tpu.vector_load %arg8[%parallel_loop3A_364] {strides = array<i32>} : memref<32768xi32, #tpu.memory_space<vmem>>, vector<16xi32>,
      %parallel_loop3A_366 = tpu.vector_load_idx %arg6[%broadcast_in_dim3A_37, %parallel_loop3A_363] : memref<1x100xf32, #tpu.memory_space<vmem>>[vector<16xi32>, vector<16xi32>], vector<16xf32>,
      %parallel_loop3A_367 = arith.constant true
      %parallel_loop3A_368 = vector.broadcast %parallel_loop3A_367 : i1 to vector<16xi1>
      %parallel_loop3A_369 = tpu.scan <sum>, %parallel_loop3A_366 masked %parallel_loop3A_368 : vector<16xf32>, vector<16xi1> -> vector<16xf32>
      %parallel_loop3A_370 = vector.shape_cast %min3A_33 : vector<16xi32> to vector<16x1xi32>
      %parallel_loop3A_371 = vector.shape_cast %parallel_loop3A_370 : vector<16x1xi32> to vector<16xi32>
      %parallel_loop3A_372 = tpu.dynamic_gather %parallel_loop3A_365[%parallel_loop3A_371] in [0] : vector<16xi32>, vector<16xi32> -> vector<16xi32>
      %parallel_loop3A_373 = arith.cmpi ne, %parallel_loop3A_365, %parallel_loop3A_372 : vector<16xi32>
      %parallel_loop3A_374 = arith.ori %parallel_loop3A_373, %eq3A_35 : vector<16xi1>
      tpu.vector_store_idx %arg9[%parallel_loop3A_365], %parallel_loop3A_369 masked %parallel_loop3A_374 {add = true} : memref<16384xf32, #tpu.memory_space<vmem>>[vector<16xi32>], vector<16xf32>, vector<16xi1>
      %parallel_loop3A_375 = arith.constant 0.000000e+00 : f32
      %parallel_loop3A_376 = vector.broadcast %parallel_loop3A_375 : f32 to vector<16xf32>
      %parallel_loop3A_377 = arith.subf %parallel_loop3A_376, %parallel_loop3A_369 : vector<16xf32>
      tpu.vector_store_idx %arg9[%parallel_loop3A_372], %parallel_loop3A_377 masked %parallel_loop3A_373 {add = true} : memref<16384xf32, #tpu.memory_space<vmem>>[vector<16xi32>], vector<16xf32>, vector<16xi1>
    } {sc.loop_unroll_factor = 8 : i64, sc.parallel_access}
    "tpu.trace_stop"() : () -> ()
    "tpu.trace_start"() <{level = 10 : i32, message = "out_dma"}> : () -> ()
    "tpu.region"() ({
      %run_scoped3A = tpu.sem_alloc : memref<!tpu.dma_semaphore, #tpu.memory_space<semaphore_mem>>
      %dma_start3A_358 = arith.constant 0 : i32
      %dma_start3A_359 = tpu.memref_slice %arg5[%add3A, %dma_start3A_358] : memref<32x16384xf32, #tpu.memory_space<hbm>> -> memref<1x16384xf32, #tpu.memory_space<hbm>>
      %dma_start3A_360 = tpu.memref_squeeze %dma_start3A_359 : memref<1x16384xf32, #tpu.memory_space<hbm>> -> memref<16384xf32, #tpu.memory_space<hbm>>
      %dma_start3A_361 = arith.constant 0 : i32
      %dma_start3A_362 = tpu.memref_slice %arg5[%add3A, %dma_start3A_361] : memref<32x16384xf32, #tpu.memory_space<hbm>> -> memref<1x16384xf32, #tpu.memory_space<hbm>>
      %dma_start3A_363 = tpu.memref_squeeze %dma_start3A_362 : memref<1x16384xf32, #tpu.memory_space<hbm>> -> memref<16384xf32, #tpu.memory_space<hbm>>
      tpu.enqueue_dma source(%arg9 : memref<16384xf32, #tpu.memory_space<vmem>>) target(%dma_start3A_363 : memref<16384xf32, #tpu.memory_space<hbm>>) target_semaphore(%run_scoped3A : memref<!tpu.dma_semaphore, #tpu.memory_space<semaphore_mem>>)
      %dma_wait3A_364 = arith.constant 0 : i32
      %dma_wait3A_365 = tpu.memref_slice %arg5[%add3A, %dma_wait3A_364] : memref<32x16384xf32, #tpu.memory_space<hbm>> -> memref<1x16384xf32, #tpu.memory_space<hbm>>
      %dma_wait3A_366 = tpu.memref_squeeze %dma_wait3A_365 : memref<1x16384xf32, #tpu.memory_space<hbm>> -> memref<16384xf32, #tpu.memory_space<hbm>>
      %dma_wait3A_367 = arith.constant 0 : i32
      %dma_wait3A_368 = tpu.memref_slice %arg5[%add3A, %dma_wait3A_367] : memref<32x16384xf32, #tpu.memory_space<hbm>> -> memref<1x16384xf32, #tpu.memory_space<hbm>>
      %dma_wait3A_369 = tpu.memref_squeeze %dma_wait3A_368 : memref<1x16384xf32, #tpu.memory_space<hbm>> -> memref<16384xf32, #tpu.memory_space<hbm>>
      tpu.wait_dma2 semaphore(%run_scoped3A : memref<!tpu.dma_semaphore, #tpu.memory_space<semaphore_mem>>) src(%arg9 : memref<16384xf32, #tpu.memory_space<vmem>>) dst(%dma_wait3A_369 : memref<16384xf32, #tpu.memory_space<hbm>>)
      tpu.yield
    }) : () -> ()
    "tpu.trace_stop"() : () -> ()
    return
  }
}

module attributes {stable_mosaic.version = 14 : i64} {
  func.func @_reduce_body(%arg0: memref<32x16384xf32, #tpu.memory_space<vmem>>, %arg1: memref<16384xf32, #tpu.memory_space<vmem>>) attributes {dimension_semantics = [], scalar_prefetch = 0 : i64, scratch_operands = 0 : i64, tpu.core_type = #tpu.core_type<tc>} {
    %get3A = arith.constant 0 : index
    %get3A_0 = arith.constant 0 : index
    %get3A_1 = vector.load %arg0[%get3A, %get3A_0] : memref<32x16384xf32, #tpu.memory_space<vmem>>, vector<32x16384xf32>
    %reduce_sum3A = arith.constant dense<0.000000e+00> : vector<16384xf32>
    %reduce_sum3A_2 = vector.multi_reduction <add>, %get3A_1, %reduce_sum3A [0] : vector<32x16384xf32> to vector<16384xf32>
    %swap3A = arith.constant 0 : index
    %swap3A_3 = vector.load %arg1[%swap3A] : memref<16384xf32, #tpu.memory_space<vmem>>, vector<16384xf32>
    tpu.vector_store %arg1[%swap3A], %reduce_sum3A_2 {strides = array<i32>} : memref<16384xf32, #tpu.memory_space<vmem>>, vector<16384xf32>,
    return
  }
}

</mosaic_0001>

<sc_bundles>
// kernel: _impl.4.cloned.1.call-start
scs
__scs_entry_jumppad:
0x0: {  	(pc) =	sbr.rel $0x88, $3  }
0x1: {  	(tag) =	ssettag $0x0;
	lr =	simm.s32 $0x1  }
0x2: {  	[smem:$0x3F9E] =	sst lr;
	_ =	strace $0xD0000000  }
0x3: {  	_ = 	snop  }
0x4: {  	_ = 	snop  }
0x5: {  	_ = 	snop  }
0x6: {  	_ = 	snop  }
0x7: {  	_ = 	snop  }
__scs_overlays_trampoline_lowered:
0x8: {  	[smem:$0x3FAD] =	sst s0  }
0x9: {  	[smem:$0x3FAE] =	sst s1  }
0xa: {  	[smem:$0x3FAF] =	sst s2  }
0xb: {  	[smem:$0x3FB0] =	sst s3  }
0xc: {  	[smem:$0x3FB1] =	sst s4  }
0xd: {  	[smem:$0x3FB2] =	sst s5  }
0xe: {  	[smem:$0x3FB3] =	sst s6  }
0xf: {  	[smem:$0x3FB4] =	sst s7  }
0x10: {  	[smem:$0x3FB5] =	sst s8  }
0x11: {  	[smem:$0x3FB6] =	sst s9;
	s0 =	simm.s32 @!p0 $0x0  }
0x12: {  	s1 =	sld [smem:$0x3F9C];
	s0 =	simm.s32 @p0 $0x1  }
0x13: {  	[smem:$0x3FB7] =	sst s0;
	s0 =	simm.s32 @!p1 $0x0  }
0x14: {  	s2 =	sld [smem:$0x3F9B];
	s0 =	simm.s32 @p1 $0x1  }
0x15: {  	[smem:$0x3FB8] =	sst s0;
	s0 =	simm.s32 @!p2 $0x0  }
0x16: {  	s3 =	sld [smem:$0x3FDB];
	s0 =	simm.s32 @p2 $0x1  }
0x17: {  	s4 =	simm.s32 $0x1BF5;
	[smem:$0x3FBA] =	sst s0  }
0x18: {  	s0 =	sld [smem:$0x3F9D];
	_ =	swait.ge [sflag:s4], $0x0  }
0x19: {  	s7 =	sld [smem:$0x3F9E]  }
0x1a: {  	s8 =	sadd.s32 $0xFFFFE003, lr  }
0x1b: {  	s9 =	sadd.s32 $0xFFFFFEF7, lr;
	s5 =	simm.s32 $0xFFFFFFFF;
	p2 =	slt.u32 s8, $0xFFFFF086  }
0x1c: {  	p1 =	slt.u32 s9, $0xF7A;
	s5 =	simm.s32 @!p2 $0x0  }
0x1d: {  	s5 =	simm.s32 @p1 $0x1;
	p0 =	seq.s32 s7, s2  }
0x1e: {  	s7 =	smul.u32 @!p0 $0xF7A, s2;
	p2 =	seq.s32 @!p0 s5, $0x0  }
0x1f: {  	s9 =	smul.u32 $0xF7A, s1;
	s8 =	simm.s32 @!p0 $0x1BF5;
	p2 =	por !p2, p0  }
0x20: {  	[sflag:s8] =	ssyncset.s32 @!p0 $0xFFFFF086;
	s6 =	sadd.s32 @!p0 s3, s7;
	s7 =	simm.s32 @!p0 $0x108  }
0x21: {  	s3 =	sadd.s32 s3, s9;
	s6 =	sadd.s32 @!p0 $0x88, s6;
	s7 =	simm.s32 @p2 $0x1082  }
0x22: {  	[simem:s7], [sflag:s8] =	dma.local @!p0 [hbm:s6], $0xF7A  }
0x23: {  	s9 =	sor.u32 $0xD0000000, s2;
	s6 =	simm.s32 $0x108;
	_ =	swait.ge @!p0 [sflag:s8], $0x0  }
0x24: {  	s3 =	sadd.s32 $0x88, s3;
	s6 =	simm.s32 @!p1 $0x1082;
	[sflag:s4] =	ssyncset.s32 $0xFFFFF086  }
0x25: {  	[simem:s6], [sflag:s4] =	dma.local [hbm:s3], $0xF7A  }
0x26: {  	[smem:$0x3F9E] =	sst s1;
	(tag) =	ssettag s2;
	_ =	strace s9  }
0x27: {  	s1 =	sld [smem:$0x3FAE]  }
0x28: {  	s2 =	sld [smem:$0x3FAF]  }
0x29: {  	s4 =	sld [smem:$0x3FB1]  }
0x2a: {  	p0 =	seq.s32 s5, $0x0;
	s5 =	sld [smem:$0x3FB2]  }
0x2b: {  	s6 =	sld [smem:$0x3FB3]  }
0x2c: {  	s7 =	sld [smem:$0x3FB4]  }
0x2d: {  	s3 =	simm.s32 $0x108;
	s8 =	sld [smem:$0x3FB5]  }
0x2e: {  	s3 =	simm.s32 @!p0 $0x1082;
	s9 =	sld [smem:$0x3FB6]  }
0x2f: {  	lr =	sadd.s32 s0, s3;
	s0 =	sld [smem:$0x3FAD]  }
0x30: {  	s3 =	sld [smem:$0x3FB0]  }
0x31: {  	[smem:$0x3FB9] =	sst s10  }
0x32: {  	s10 =	sld [smem:$0x3FB7];
	_ =	sdelay $0x3  }
0x33: {  	p0 =	seq.s32 s10, $0x1;
	s10 =	sld [smem:$0x3FB9];
	_ =	sdelay $0x3  }
0x34: {  	[smem:$0x3FB9] =	sst s10  }
0x35: {  	s10 =	sld [smem:$0x3FB8];
	_ =	sdelay $0x3  }
0x36: {  	p1 =	seq.s32 s10, $0x1;
	s10 =	sld [smem:$0x3FB9];
	_ =	sdelay $0x3  }
0x37: {  	[smem:$0x3FB9] =	sst s10  }
0x38: {  	s10 =	sld [smem:$0x3FBA]  }
0x39: {  	_ = 	snop;
	(pc) =	sbr.ind lr, $3  }
0x3a: {  	_ = 	snop  }
0x3b: {  	_ = 	snop  }
0x3c: {  	p2 =	seq.s32 s10, $0x1;
	s10 =	sld [smem:$0x3FB9]  }
0x3d: {  	_ =	shalt  }
0x3e: {  	_ =	shalt  }
0x3f: {  	_ =	shalt  }
0x40: {  	_ =	shalt  }
0x41: {  	_ =	shalt  }
0x42: {  	_ =	shalt  }
0x43: {  	_ =	shalt  }
0x44: {  	_ =	shalt  }
0x45: {  	_ =	shalt  }
0x46: {  	_ =	shalt  }
0x47: {  	_ =	shalt  }
0x48: {  	_ =	shalt  }
0x49: {  	_ =	shalt  }
0x4a: {  	_ =	shalt  }
0x4b: {  	_ =	shalt  }
0x4c: {  	_ =	shalt  }
0x4d: {  	_ =	shalt  }
0x4e: {  	_ =	shalt  }
0x4f: {  	_ =	shalt  }
0x50: {  	_ =	shalt  }
0x51: {  	_ =	shalt  }
0x52: {  	_ =	shalt  }
0x53: {  	_ =	shalt  }
0x54: {  	_ =	shalt  }
0x55: {  	_ =	shalt  }
0x56: {  	_ =	shalt  }
0x57: {  	_ =	shalt  }
0x58: {  	_ =	shalt  }
0x59: {  	_ =	shalt  }
0x5a: {  	_ =	shalt  }
0x5b: {  	_ =	shalt  }
0x5c: {  	_ =	shalt  }
0x5d: {  	_ =	shalt  }
0x5e: {  	_ =	shalt  }
0x5f: {  	_ =	shalt  }
0x60: {  	_ =	shalt  }
0x61: {  	_ =	shalt  }
0x62: {  	_ =	shalt  }
0x63: {  	_ =	shalt  }
0x64: {  	_ =	shalt  }
0x65: {  	_ =	shalt  }
0x66: {  	_ =	shalt  }
0x67: {  	_ =	shalt  }
0x68: {  	_ =	shalt  }
0x69: {  	_ =	shalt  }
0x6a: {  	_ =	shalt  }
0x6b: {  	_ =	shalt  }
0x6c: {  	_ =	shalt  }
0x6d: {  	_ =	shalt  }
0x6e: {  	_ =	shalt  }
0x6f: {  	_ =	shalt  }
0x70: {  	_ =	shalt  }
0x71: {  	_ =	shalt  }
0x72: {  	_ =	shalt  }
0x73: {  	_ =	shalt  }
0x74: {  	_ =	shalt  }
0x75: {  	_ =	shalt  }
0x76: {  	_ =	shalt  }
0x77: {  	_ =	shalt  }
0x78: {  	_ =	shalt  }
0x79: {  	_ =	shalt  }
0x7a: {  	_ =	shalt  }
0x7b: {  	_ =	shalt  }
0x7c: {  	_ =	shalt  }
0x7d: {  	_ =	shalt  }
0x7e: {  	_ =	shalt  }
0x7f: {  	_ =	shalt  }
0x80: {  	_ =	shalt  }
0x81: {  	_ =	shalt  }
0x82: {  	_ =	shalt  }
0x83: {  	_ =	shalt  }
0x84: {  	_ =	shalt  }
0x85: {  	_ =	shalt  }
0x86: {  	_ =	shalt  }
0x87: {  	_ =	shalt  }
.Lfunc_end0:
.L_simem_size_0:
called_computation_lowered:
.L_overlay_start_0:
0x88: {  	s2 =	sld [smem:$0x3FD9]  }
0x89: {  	s3 =	sld [smem:$0x3FFE];
	_ =	sdelay $0x1  }
0x8a: {  	s1 =	srdreg.scid  }
0x8b: {  	s0 =	sand.u32 $0x1, s1  }
0x8c: {  	s17 =	sshll.u32 s0, $0xA;
	s2 =	sadd.s32 s3, s2  }
0x8d: {  	s2 =	sadd.s32 s2, s17  }
0x8e: {  	[smem:$0x3FC5] =	sst s2  }
0x8f: {  	_ = 	snop  }
0x90: {  	s2 =	sld [smem:$0x3FC9]  }
0x91: {  	s18 =	sld [smem:$0x3FC8]  }
0x92: {  	s4 =	sld [smem:$0x3FC7];
	(tm) =	ssettm $0x1  }
0x93: {  	s5 =	sld [smem:$0x3FFB];
	_ =	sdelay $0x3  }
0x94: {  	_ =	strace s5  }
0x95: {  	s5 =	sld [smem:$0x3FFC];
	_ =	sdelay $0x3  }
0x96: {  	_ =	strace s5  }
0x97: {  	s5 =	sld [smem:$0x3FFD];
	_ =	sdelay $0x3  }
0x98: {  	_ =	strace s5  }
0x99: {  	_ =	strace $0x8FFFFFFF  }
0x9a: {  	s19 =	sld [smem:$0x3FDB];
	_ =	sdelay $0x1  }
0x9b: {  	s6 =	simm.s32 $_scs_section_size  }
0x9c: {  	s7 =	simm.s32 $_size__tile_overlayer_lowered;
	s8 =	simm.s32 $_tile_overlayer_lowered  }
0x9d: {  	s22 =	simm.s32 $0x1BFF;
	s21 =	sshll.u32 s8, $0x1;
	s5 =	sadd.s32 s6, s19  }
0x9e: {  	s9 =	simm.s32 $0x0;
	s20 =	sshll.u32 s7, $0x1;
	s7 =	sadd.s32 s21, s5  }
0x9f: {  	[timem:s9], [sflag:s22] =	dma.local [hbm:s7], s20  }
0xa0: {  	_ =	swait.ge [sflag:s22], s20  }
0xa1: {  	s6 =	ssub.s32 $0x0, s20;
	[sflag:s22] =	ssyncset.done $0x0  }
0xa2: {  	[sflag:s22] =	ssyncadd.s32 s6;
	_ =	sdelay $0x1  }
0xa3: {  	s23 =	simm.s32 $0x1B8B  }
0xa4: {  	_ =	swait.ge [sflag:s23], $0x1  }
0xa5: {  	[sflag:s23] =	ssyncset.done $0x0  }
0xa6: {  	s25 =	simm.s32 $0x1B8E;
	s24 =	sld [smem:$0x3FFE];
	[sflag:s23] =	ssyncadd.s32 $0xFFFFFFFF  }
0xa7: {  	s26 =	simm.s32 $execute0_lowered;
	[smem:$0x3FD2] =	sst s25  }
0xa8: {  	s7 =	sshll.u32 s26, $0x1;
	_ =	strace $0x80000046;
	[dreg:$0x1] =	wrdreg $0xFFFFFFFF  }
0xa9: {  	s28 =	simm.s32 $_size_execute0_lowered;
	s5 =	sadd.s32 s5, s7;
	[dreg:$0x0] =	wrdreg $0x0  }
0xaa: {  	s7 =	sshll.u32 s28, $0x1;
	[dreg:$0x2] =	wrdreg s5  }
0xab: {  	[dreg:$0x3] =	wrdreg s7  }
0xac: {  	[dreg:$0x4] =	wrdreg $0xC0  }
0xad: {  	_ =	task [dreg:s9], $0x5FFFF  }
0xae: {  	[dreg:$0x1] =	wrdreg $0xFFFFFFFF  }
0xaf: {  	[dreg:$0x0] =	wrdreg $0x60  }
0xb0: {  	[dreg:$0x2] =	wrdreg s2  }
0xb1: {  	[dreg:$0x3] =	wrdreg s18  }
0xb2: {  	[dreg:$0x4] =	wrdreg s4  }
0xb3: {  	[dreg:$0x5] =	wrdreg s24  }
0xb4: {  	[dreg:$0x6] =	wrdreg $0x9  }
0xb5: {  	_ =	task.clear_ibuf [dreg:s9], $0x7FFFF;
	_ =	strace $0x90000046  }
0xb6: {  	s29 =	simm.s32 $0x9;
	_ =	strace $0x8000005B  }
0xb7: {  	_ =	swait.ge [sflag:s29], $0x1  }
0xb8: {  	[sflag:s29] =	ssyncadd.s32 $0xFFFFFFFF  }
0xb9: {  	_ =	strace $0x9000005B  }
0xba: {  	_ =	sfence  }
0xbb: {  	s30 =	sld [smem:$0x0];
	_ =	sdelay $0x2  }
0xbc: {  	s31 =	sshll.u32 s1, $0xD;
	s1 =	sshrl.u32 s1, $0x2  }
0xbd: {  	s3 =	sand.u32 $0x4000, s31;
	s1 =	sadd.s32 s1, s30  }
0xbe: {  	s0 =	sor.u32 s3, s0;
	s1 =	sshll.u32 s1, $0x11  }
0xbf: {  	s0 =	sor.u32 s1, s0  }
0xc0: {  	s0 =	sadd.s32 $0x8F2B, s0  }
0xc1: {  	[sflag:s0] =	ssyncadd.remote.s32 $0x1  }
0xc2: {  	_ =	sfence.sel $0xFFFF  }
0xc3: {  	[dreg:$0x0] =	wrdreg $0xFFFFFFFF;
	(pc) =	sbr.abs _section_cstart, $3  }
0xc4: {  	[dreg:$0x1] =	wrdreg $0xFFFFFFFF  }
0xc5: {  	_ =	task.clear_ibuf [dreg:s9], $0x2FFFF;
	_ =	strace $0x9FFFFFFF  }
0xc6: {  	(tm) =	ssettm $0x7FFFFFFF  }
0xc7: {  	_ =	shalt  }
tec
execute0_lowered:
.L_overlay_start_1:
0x0: {  	(tag) =	ssettag $0x1  }
0x1: {  	s0 =	rddreg [dreg:$0x1]  }
0x2: {  	s1 =	rddreg [dreg:$0x2]  }
0x3: {  	s2 =	rddreg [dreg:$0x3];
	s3 =	simm.s32 $0x0;
	s4 =	srdreg.scid  }
0x4: {  	s7 =	stileid.u32;
	s29 =	simm.s32 $0x10080;
	s30 =	simm.s32 $0x3  }
0x5: {  	s28 =	simm.s32 $0x7;
	s31 =	simm.s32 $0x9;
	[smem:$0x7FF] =	sst s3  }
0x6: {  	s4 =	sand.u32 $0x1, s4;
	s5 =	sshll.u32 s7, $0xC;
	s7 =	sshll.u32 s7, $0x1  }
0x7: {  	_ =	strace $0x80000047;
	s6 =	ssub.s32 $0x2, s4;
	s5 =	sand.u32 $0xC000, s5  }
0x8: {  	s4 =	sor.u32 s4, s7;
	s8 =	sshrl.u32 s6, $0x1;
	s2 =	sadd.s32 s5, s2  }
0x9: {  	s22 =	sshll.u32 s4, $0xC;
	s4 =	sshll.u32 s4, $0x4;
	s5 =	simm.s32 $0x80  }
0xa: {  	s21 =	ssub.s32 s6, s8;
	s23 =	sadd.s32 s0, s22;
	s24 =	sadd.s32 s1, s22  }
0xb: {  	s25 =	sor.u32 $0x200, s22;
	s9 =	sor.u32 $0x400, s22;
	s11 =	sor.u32 $0x600, s22  }
0xc: {  	s13 =	sor.u32 $0x800, s22;
	s15 =	sor.u32 $0xA00, s22;
	s17 =	sor.u32 $0xC00, s22  }
0xd: {  	s4 =	sand.u32 $0x70, s4;
	s6 =	sor.u32 $0xE00, s22;
	[dreg:$0x5] =	wrdreg s23  }
0xe: {  	s22 =	simm.s32 $0x0;
	[dreg:$0x6] =	wrdreg s24;
	s26 =	sadd.s32 s0, s25  }
0xf: {  	v0 =	vimm.s32 $0xFFEDCBA9;
	v1 =	vimm.s32 $0x87654321;
	s7 =	sadd.s32 s1, s25;
	s8 =	sadd.s32 s0, s9;
	s9 =	sadd.s32 s1, s9  }
0x10: {  	v0 =	vunpack.c.l.s4.s8 v0;
	v1 =	vunpack.c.l.s4.s8 v1;
	s10 =	sadd.s32 s0, s11;
	s11 =	sadd.s32 s1, s11;
	s12 =	sadd.s32 s0, s13  }
0x11: {  	s13 =	sadd.s32 s1, s13;
	s14 =	sadd.s32 s0, s15;
	s15 =	sadd.s32 s1, s15  }
0x12: {  	v0 =	vunpack.c.0.s8.s32 v0;
	v1 =	vunpack.c.0.s8.s32 v1;
	s16 =	sadd.s32 s0, s17;
	s17 =	sadd.s32 s1, s17;
	s2 =	sadd.s32 s4, s2  }
0x13: {  	s18 =	sadd.s32 s0, s6;
	s19 =	sadd.s32 s1, s6;
	s21 =	smax.u32 s21, $0x1  }
0x14: {  	s24 =	simm.s32 $0x1;
	s25 =	simm.s32 $0x2;
	s0 =	simm.s32 $0x6;
	v1 =	vcombine.low v1, v0  }
0x15: {  	s23 =	simm.s32 $0x8;
	s1 =	simm.s32 $0xA;
	[dreg:$0x7] =	wrdreg s26  }
0x16: {  	vm0 =	vcmask $0x3F3C;
	v0 =	vimm.f32 $0.0e+00;
	s20 =	sadd.s32 $0x600, s2;
	s2 =	simm.s32 $0x4;
	s26 =	simm.s32 $0x5;
	v1 =	vand.u32 $0xF, v1  }
.LBB2_1:
0x17: {  	s4 =	rddreg [dreg:$0x0]  }
0x18: {  	[tilespmem:s3], [sflag:$0x1] =	stream.linear.gather [hbm4b:s4+s3], $0x80, $0x38;
	[tilespmem:$0x14080] =	vst v63  }
0x19: {  	s6 =	rddreg [dreg:$0x5]  }
0x1a: {  	[tilespmem:s5], [sflag:$0x2] =	stream.linear.gather [hbm4b:s6+s3], $0x1000, $0x38;
	[tilespmem:$0x14080] =	vst v63  }
0x1b: {  	s4 =	simm.s32 $0x100C0;
	s5 =	rddreg [dreg:$0x6];
	s6 =	simm.s32 $0x8080  }
0x1c: {  	[tilespmem:s6], [sflag:$0x2] =	stream.linear.gather [hbm4b:s5+s3], $0x1000, $0x38;
	[tilespmem:$0x14080] =	vst v63  }
0x1d: {  	_ =	strace $0x80000048;
	[tilespmem:s4+$0xFFFFFFC0] =	vst v0  }
0x1e: {  	[tilespmem:s4+$0x30] =	vst v0  }
0x1f: {  	[tilespmem:s4+$0x20] =	vst v0  }
0x20: {  	[tilespmem:s4+$0x10] =	vst v0  }
0x21: {  	[tilespmem:s4+$0x0] =	vst v0  }
0x22: {  	[tilespmem:s4+$0xFFFFFFF0] =	vst v0  }
0x23: {  	s5 =	simm.s32 $0x0;
	[tilespmem:s4+$0xFFFFFFE0] =	vst v0  }
.LBB2_2:
0x24: {  	s5 =	sadd.s32 $0x8, s5;
	[tilespmem:s4+$0xFFFFFFD0] =	vst v0;
	s4 =	sadd.s32 $0x80, s4  }
0x25: {  	[tilespmem:s4+$0xFFFFFFC0] =	vst v0;
	p0 =	slt.u32 s5, $0x3F8  }
0x26: {  	[tilespmem:s4+$0x30] =	vst v0  }
.Ltmp0:
0x27: {  	[tilespmem:s4+$0x20] =	vst v0;
	(pc) =	sbr.rel @p0 .LBB2_2-.Ltmp0, $4  }
0x28: {  	[tilespmem:s4+$0x10] =	vst v0  }
0x29: {  	[tilespmem:s4+$0x0] =	vst v0  }
0x2a: {  	[tilespmem:s4+$0xFFFFFFF0] =	vst v0  }
0x2b: {  	[tilespmem:s4+$0xFFFFFFE0] =	vst v0  }
0x2c: {  	[tilespmem:s4+$0xFFFFFFD0] =	vst v0  }
0x2d: {  	_ =	strace $0x90000048  }
0x2e: {  	_ =	strace $0x80000049  }
0x2f: {  	_ =	swait.ge [sflag:s24], $0x80  }
0x30: {  	[sflag:s24] =	ssyncset.done $0x0  }
0x31: {  	[sflag:s24] =	ssyncadd.s32 $0xFFFFFF80  }
0x32: {  	_ =	strace $0x90000049  }
0x33: {  	_ =	strace $0x8000004A  }
0x34: {  	_ =	swait.ge [sflag:s25], $0x1000  }
0x35: {  	[sflag:s25] =	ssyncset.done $0x0  }
0x36: {  	[sflag:s25] =	ssyncadd.s32 $0xFFFFF000  }
0x37: {  	_ =	swait.ge [sflag:s25], $0x1000  }
0x38: {  	[sflag:s25] =	ssyncset.done $0x0  }
0x39: {  	[sflag:s25] =	ssyncadd.s32 $0xFFFFF000  }
0x3a: {  	_ =	strace $0x9000004A  }
0x3b: {  	s5 =	simm.s32 $0x1080;
	s6 =	rddreg [dreg:$0x7]  }
0x3c: {  	[tilespmem:s5], [sflag:$0x3] =	stream.linear.gather [hbm4b:s6+s3], $0x1000, $0x38;
	[tilespmem:$0x14080] =	vst v63  }
0x3d: {  	s5 =	simm.s32 $0x9080  }
0x3e: {  	[tilespmem:s5], [sflag:$0x3] =	stream.linear.gather [hbm4b:s7+s3], $0x1000, $0x38;
	[tilespmem:$0x14080] =	vst v63  }
0x3f: {  	s6 =	simm.s32 $0xC0;
	_ =	strace $0x8000004B  }
0x40: {  	v2 =	vld [tilespmem:s6+$0xFFFFFFC0];
	_ =	sdelay $0x2  }
0x41: {  	v3 =	vld [tilespmem:s6+$0x10]  }
0x42: {  	v7 =	vld [tilespmem:s6+$0xFFFFFFD0]  }
0x43: {  	v4 =	vld [tilespmem:s6+$0x0]  }
0x44: {  	s4 =	simm.s32 $0x80C0;
	v5 =	vld [tilespmem:s6+$0x30]  }
0x45: {  	v9 =	vld [tilespmem:s4+$0xFFFFFFC0]  }
0x46: {  	v2 =	vld.idx.msk [tilespmem:v2+s3+$0x0], $0xffff  }
0x47: {  	v6 =	vld [tilespmem:s6+$0xFFFFFFE0]  }
0x48: {  	v10 =	vld [tilespmem:s6+$0x20]  }
0x49: {  	v3 =	vld.idx.msk [tilespmem:v3+s3+$0x0], $0xffff  }
0x4a: {  	v15 =	vld [tilespmem:s4+$0x10]  }
0x4b: {  	v12 =	vld [tilespmem:s6+$0xFFFFFFF0];
	(xrf2) =	vadd.scan.msk.f32 $0xffff, v2  }
0x4c: {  	v8 =	vld [tilespmem:s4+$0x30]  }
0x4d: {  	v17 =	vperm.xlane v9, v1;
	v16 =	vld.idx.msk [tilespmem:v5+s3+$0x0], $0xffff  }
0x4e: {  	v11 =	vld.idx.msk [tilespmem:v4+s3+$0x0], $0xffff;
	(xrf2) =	vadd.scan.msk.f32 $0xffff, v3  }
0x4f: {  	vm3 =	vne.s32 v9, v17;
	v5 =	vld [tilespmem:s4+$0x0]  }
0x50: {  	vm2 =	vmor vm3, vm0;
	v4 =	vperm.xlane v15, v1;
	v18 =	vld.idx.msk [tilespmem:v10+s3+$0x0], $0xffff  }
0x51: {  	v14 =	vld.idx.msk [tilespmem:v6+s3+$0x0], $0xffff  }
0x52: {  	v6 =	vld [tilespmem:s4+$0x20];
	vm1 =	vne.s32 v15, v4;
	(xrf2) =	vadd.scan.msk.f32 $0xffff, v16  }
0x53: {  	v10 =	vld.idx.msk [tilespmem:v12+s3+$0x0], $0xffff;
	vm5 =	vmor vm1, vm0  }
0x54: {  	v12 =	vperm.xlane v8, v1;
	v13 =	vld.idx.msk [tilespmem:v7+s3+$0x0], $0xffff  }
0x55: {  	v2 =	vld [tilespmem:s4+$0xFFFFFFF0];
	v19, _, _ =	vpop (xrf2);
	(xrf2) =	vadd.scan.msk.f32 $0xffff, v11  }
0x56: {  	[tilespmem:v9+s29+$0x0] =	vst.idx.add.f32.msk vm2, v19;
	vm2 =	vne.s32 v8, v12  }
0x57: {  	v3 =	vld [tilespmem:s4+$0xFFFFFFD0];
	vm4 =	vmor vm2, vm0  }
0x58: {  	v7 =	vsub.f32 $0.0e+00, v19;
	v9 =	vld [tilespmem:s4+$0xFFFFFFE0];
	v11, _, _ =	vpop (xrf2);
	(xrf2) =	vadd.scan.msk.f32 $0xffff, v18  }
0x59: {  	[tilespmem:v15+s29+$0x0] =	vst.idx.add.f32.msk vm5, v11  }
0x5a: {  	s5 =	simm.s32 $0x0;
	s6 =	simm.s32 $0x140;
	[tilespmem:v17+s29+$0x0] =	vst.idx.add.f32.msk vm3, v7;
	v7 =	vperm.xlane v6, v1  }
.LBB2_4:
0x5b: {  	v15 =	vld [tilespmem:s6+$0xFFFFFFD0];
	s5 =	sadd.s32 $0x8, s5;
	s4 =	sadd.s32 $0x80, s4;
	(xrf2) =	vadd.scan.msk.f32 $0xffff, v14  }
0x5c: {  	v16 =	vld [tilespmem:s4+$0xFFFFFFC0];
	p0 =	slt.u32 s5, $0xF8;
	v14, _, _ =	vpop (xrf2)  }
0x5d: {  	vm3 =	vne.s32 v6, v7;
	v17 =	vperm.xlane v9, v1;
	[tilespmem:v8+s29+$0x0] =	vst.idx.add.f32.msk vm4, v14;
	v19 =	vsub.f32 $0.0e+00, v14  }
0x5e: {  	v18 =	vperm.xlane v5, v1;
	vm6 =	vmor vm3, vm0;
	v14 =	vld [tilespmem:s6+$0xFFFFFFE0]  }
0x5f: {  	vm5 =	vne.s32 v9, v17;
	[tilespmem:v12+s29+$0x0] =	vst.idx.add.f32.msk vm2, v19;
	v8, _, _ =	vpop (xrf2)  }
0x60: {  	vm4 =	vne.s32 v5, v18;
	v19 =	vld [tilespmem:s4+$0x10];
	vm7 =	vmor vm5, vm0;
	(xrf2) =	vadd.scan.msk.f32 $0xffff, v13  }
0x61: {  	vm8 =	vmor vm4, vm0;
	v12 =	vld [tilespmem:s6+$0x20]  }
0x62: {  	v20 =	vperm.xlane v3, v1;
	v13 =	vld [tilespmem:s6+$0x30];
	v21, _, _ =	vpop (xrf2)  }
0x63: {  	v22 =	vld [tilespmem:s6+$0x10];
	(xrf2) =	vadd.scan.msk.f32 $0xffff, v10  }
0x64: {  	vm2 =	vne.s32 v3, v20;
	v10 =	vsub.f32 $0.0e+00, v11;
	[tilespmem:v6+s29+$0x0] =	vst.idx.add.f32.msk vm6, v21  }
0x65: {  	v11 =	vsub.f32 $0.0e+00, v8;
	vm6 =	vmor vm2, vm0;
	v6 =	vld [tilespmem:s6+$0xFFFFFFC0];
	v23, _, _ =	vpop (xrf2)  }
0x66: {  	[tilespmem:v9+s29+$0x0] =	vst.idx.add.f32.msk vm7, v23;
	v9 =	vsub.f32 $0.0e+00, v23;
	v23 =	vperm.xlane v2, v1  }
0x67: {  	[tilespmem:v5+s29+$0x0] =	vst.idx.add.f32.msk vm8, v8;
	v5 =	vsub.f32 $0.0e+00, v21  }
0x68: {  	[tilespmem:v17+s29+$0x0] =	vst.idx.add.f32.msk vm5, v9;
	vm5 =	vne.s32 v2, v23  }
0x69: {  	vm7 =	vmor vm5, vm0;
	[tilespmem:v7+s29+$0x0] =	vst.idx.add.f32.msk vm3, v5  }
0x6a: {  	v5 =	vld [tilespmem:s6+$0x0];
	v7, _, _ =	vpop (xrf2)  }
0x6b: {  	[tilespmem:v3+s29+$0x0] =	vst.idx.add.f32.msk vm6, v7  }
0x6c: {  	[tilespmem:v18+s29+$0x0] =	vst.idx.add.f32.msk vm4, v11  }
0x6d: {  	[tilespmem:v4+s29+$0x0] =	vst.idx.add.f32.msk vm1, v10;
	v3, _, _ =	vpop (xrf2)  }
0x6e: {  	v4 =	vld.idx.msk [tilespmem:v6+s3+$0x0], $0xffff;
	v6 =	vsub.f32 $0.0e+00, v3  }
0x6f: {  	v7 =	vsub.f32 $0.0e+00, v7;
	[tilespmem:v2+s29+$0x0] =	vst.idx.add.f32.msk vm7, v3  }
0x70: {  	[tilespmem:v23+s29+$0x0] =	vst.idx.add.f32.msk vm5, v6  }
0x71: {  	v3 =	vld.idx.msk [tilespmem:v22+s3+$0x0], $0xffff  }
0x72: {  	[tilespmem:v20+s29+$0x0] =	vst.idx.add.f32.msk vm2, v7  }
0x73: {  	v7 =	vld.idx.msk [tilespmem:v5+s3+$0x0], $0xffff  }
0x74: {  	v6 =	vld.idx.msk [tilespmem:v13+s3+$0x0], $0xffff;
	(xrf2) =	vadd.scan.msk.f32 $0xffff, v4  }
0x75: {  	v9 =	vld [tilespmem:s6+$0xFFFFFFF0]  }
0x76: {  	v11 =	vperm.xlane v16, v1;
	v2 =	vld [tilespmem:s4+$0xFFFFFFF0]  }
0x77: {  	v8 =	vld [tilespmem:s4+$0x30];
	(xrf2) =	vadd.scan.msk.f32 $0xffff, v3  }
0x78: {  	vm3 =	vne.s32 v16, v11;
	v3 =	vld [tilespmem:s4+$0xFFFFFFD0]  }
0x79: {  	vm4 =	vmor vm3, vm0;
	v4 =	vperm.xlane v19, v1;
	v5 =	vld [tilespmem:s4+$0x0]  }
0x7a: {  	v17 =	vld.idx.msk [tilespmem:v12+s3+$0x0], $0xffff;
	(xrf2) =	vadd.scan.msk.f32 $0xffff, v6  }
0x7b: {  	vm1 =	vne.s32 v19, v4;
	v14 =	vld.idx.msk [tilespmem:v14+s3+$0x0], $0xffff  }
0x7c: {  	vm5 =	vmor vm1, vm0;
	v6 =	vld [tilespmem:s4+$0x20];
	v12 =	vperm.xlane v8, v1  }
0x7d: {  	v10 =	vld.idx.msk [tilespmem:v9+s3+$0x0], $0xffff;
	(xrf2) =	vadd.scan.msk.f32 $0xffff, v7  }
.Ltmp1:
0x7e: {  	v13 =	vld.idx.msk [tilespmem:v15+s3+$0x0], $0xffff;
	vm2 =	vne.s32 v8, v12;
	v7, _, _ =	vpop (xrf2);
	(pc) =	sbr.rel @p0 .LBB2_4-.Ltmp1, $4  }
0x7f: {  	[tilespmem:v16+s29+$0x0] =	vst.idx.add.f32.msk vm4, v7;
	v7 =	vsub.f32 $0.0e+00, v7;
	vm4 =	vmor vm2, vm0  }
0x80: {  	v9 =	vld [tilespmem:s4+$0xFFFFFFE0];
	(xrf2) =	vadd.scan.msk.f32 $0xffff, v17  }
0x81: {  	[tilespmem:v11+s29+$0x0] =	vst.idx.add.f32.msk vm3, v7;
	v7 =	vperm.xlane v6, v1;
	v11, _, _ =	vpop (xrf2)  }
0x82: {  	s6 =	sadd.s32 $0x80, s6;
	[tilespmem:v19+s29+$0x0] =	vst.idx.add.f32.msk vm5, v11  }
0x83: {  	(xrf2) =	vadd.scan.msk.f32 $0xffff, v14  }
0x84: {  	v15 =	vperm.xlane v5, v1  }
0x85: {  	vm3 =	vne.s32 v6, v7;
	v14 =	vperm.xlane v9, v1  }
0x86: {  	vm5 =	vmor vm3, vm0;
	vm8 =	vne.s32 v5, v15  }
0x87: {  	(xrf2) =	vadd.scan.msk.f32 $0xffff, v13;
	vm9 =	vmor vm8, vm0;
	vm6 =	vne.s32 v9, v14  }
0x88: {  	v13, _, _ =	vpop (xrf2);
	vm7 =	vmor vm6, vm0  }
0x89: {  	v16 =	vperm.xlane v3, v1;
	(xrf2) =	vadd.scan.msk.f32 $0xffff, v10;
	v10 =	vsub.f32 $0.0e+00, v13  }
0x8a: {  	[tilespmem:v8+s29+$0x0] =	vst.idx.add.f32.msk vm4, v13;
	v17, _, _ =	vpop (xrf2)  }
0x8b: {  	vm4 =	vne.s32 v3, v16;
	[tilespmem:v12+s29+$0x0] =	vst.idx.add.f32.msk vm2, v10;
	v8, _, _ =	vpop (xrf2)  }
0x8c: {  	vm2 =	vmor vm4, vm0;
	v10 =	vperm.xlane v2, v1;
	[tilespmem:v6+s29+$0x0] =	vst.idx.add.f32.msk vm5, v8  }
0x8d: {  	[tilespmem:v5+s29+$0x0] =	vst.idx.add.f32.msk vm9, v17;
	v5 =	vsub.f32 $0.0e+00, v8;
	v6, _, _ =	vpop (xrf2)  }
0x8e: {  	vm5 =	vne.s32 v2, v10;
	[tilespmem:v9+s29+$0x0] =	vst.idx.add.f32.msk vm7, v6;
	v6 =	vsub.f32 $0.0e+00, v6  }
0x8f: {  	vm7 =	vmor vm5, vm0;
	[tilespmem:v7+s29+$0x0] =	vst.idx.add.f32.msk vm3, v5;
	v7 =	vsub.f32 $0.0e+00, v11  }
0x90: {  	[tilespmem:v14+s29+$0x0] =	vst.idx.add.f32.msk vm6, v6  }
0x91: {  	v6 =	vsub.f32 $0.0e+00, v17;
	v5, _, _ =	vpop (xrf2);
	[tilespmem:v4+s29+$0x0] =	vst.idx.add.f32.msk vm1, v7  }
0x92: {  	[tilespmem:v3+s29+$0x0] =	vst.idx.add.f32.msk vm2, v5;
	v5 =	vsub.f32 $0.0e+00, v5  }
0x93: {  	v3, _, _ =	vpop (xrf2);
	[tilespmem:v15+s29+$0x0] =	vst.idx.add.f32.msk vm8, v6  }
0x94: {  	v4 =	vsub.f32 $0.0e+00, v3;
	[tilespmem:v16+s29+$0x0] =	vst.idx.add.f32.msk vm4, v5  }
0x95: {  	[tilespmem:v2+s29+$0x0] =	vst.idx.add.f32.msk vm7, v3  }
0x96: {  	[tilespmem:v10+s29+$0x0] =	vst.idx.add.f32.msk vm5, v4  }
0x97: {  	_ =	strace $0x9000004B  }
0x98: {  	_ =	strace $0x8000004C  }
0x99: {  	_ =	swait.ge [sflag:s30], $0x1000  }
0x9a: {  	[sflag:s30] =	ssyncset.done $0x0  }
0x9b: {  	[sflag:s30] =	ssyncadd.s32 $0xFFFFF000  }
0x9c: {  	_ =	swait.ge [sflag:s30], $0x1000  }
0x9d: {  	[sflag:s30] =	ssyncset.done $0x0  }
0x9e: {  	[sflag:s30] =	ssyncadd.s32 $0xFFFFF000  }
0x9f: {  	s4 =	simm.s32 $0x2080;
	_ =	strace $0x9000004C  }
0xa0: {  	[tilespmem:s4], [sflag:$0x4] =	stream.linear.gather [hbm4b:s8+s3], $0x1000, $0x38;
	[tilespmem:$0x14080] =	vst v63  }
0xa1: {  	s6 =	simm.s32 $0xA080  }
0xa2: {  	[tilespmem:s6], [sflag:$0x4] =	stream.linear.gather [hbm4b:s9+s3], $0x1000, $0x38;
	[tilespmem:$0x14080] =	vst v63  }
0xa3: {  	s5 =	simm.s32 $0x10F0;
	_ =	strace $0x8000004D  }
0xa4: {  	v2 =	vld [tilespmem:s5+$0xFFFFFF90];
	_ =	sdelay $0x5  }
0xa5: {  	v3 =	vld [tilespmem:s5+$0xFFFFFFE0]  }
0xa6: {  	v7 =	vld [tilespmem:s5+$0xFFFFFFA0]  }
0xa7: {  	v2 =	vld.idx.msk [tilespmem:v2+s3+$0x0], $0xffff  }
0xa8: {  	v4 =	vld [tilespmem:s5+$0xFFFFFFD0]  }
0xa9: {  	s4 =	simm.s32 $0x90F0;
	v5 =	vld [tilespmem:s5+$0x0]  }
0xaa: {  	v9 =	vld [tilespmem:s4+$0xFFFFFF90]  }
0xab: {  	v6 =	vld [tilespmem:s5+$0xFFFFFFB0]  }
0xac: {  	v10 =	vld [tilespmem:s5+$0xFFFFFFF0];
	(xrf2) =	vadd.scan.msk.f32 $0xffff, v2  }
0xad: {  	v3 =	vld.idx.msk [tilespmem:v3+s3+$0x0], $0xffff  }
0xae: {  	v15 =	vld [tilespmem:s4+$0xFFFFFFE0]  }
0xaf: {  	v12 =	vld [tilespmem:s5+$0xFFFFFFC0]  }
0xb0: {  	v8 =	vld [tilespmem:s4+$0x0]  }
0xb1: {  	v63 =	vperm.xlane v9, v1;
	v62 =	vld.idx.msk [tilespmem:v5+s3+$0x0], $0xffff  }
0xb2: {  	v11 =	vld.idx.msk [tilespmem:v4+s3+$0x0], $0xffff;
	(xrf2) =	vadd.scan.msk.f32 $0xffff, v3  }
0xb3: {  	vm3 =	vne.s32 v9, v63;
	v5 =	vld [tilespmem:s4+$0xFFFFFFD0]  }
0xb4: {  	vm2 =	vmor vm3, vm0;
	v4 =	vperm.xlane v15, v1;
	v18 =	vld.idx.msk [tilespmem:v10+s3+$0x0], $0xffff  }
0xb5: {  	v14 =	vld.idx.msk [tilespmem:v6+s3+$0x0], $0xffff  }
0xb6: {  	v6 =	vld [tilespmem:s4+$0xFFFFFFF0];
	vm1 =	vne.s32 v15, v4;
	v19, _, _ =	vpop (xrf2);
	(xrf2) =	vadd.scan.msk.f32 $0xffff, v62  }
0xb7: {  	v10 =	vld.idx.msk [tilespmem:v12+s3+$0x0], $0xffff;
	vm5 =	vmor vm1, vm0  }
0xb8: {  	v12 =	vperm.xlane v8, v1;
	v13 =	vld.idx.msk [tilespmem:v7+s3+$0x0], $0xffff  }
0xb9: {  	v2 =	vld [tilespmem:s4+$0xFFFFFFC0];
	(xrf2) =	vadd.scan.msk.f32 $0xffff, v11  }
0xba: {  	[tilespmem:v9+s29+$0x0] =	vst.idx.add.f32.msk vm2, v19;
	vm2 =	vne.s32 v8, v12  }
0xbb: {  	v3 =	vld [tilespmem:s4+$0xFFFFFFA0];
	vm4 =	vmor vm2, vm0  }
0xbc: {  	v7 =	vsub.f32 $0.0e+00, v19;
	v9 =	vld [tilespmem:s4+$0xFFFFFFB0];
	v11, _, _ =	vpop (xrf2);
	(xrf2) =	vadd.scan.msk.f32 $0xffff, v18  }
0xbd: {  	[tilespmem:v15+s29+$0x0] =	vst.idx.add.f32.msk vm5, v11  }
0xbe: {  	s6 =	simm.s32 $0x1170;
	s5 =	simm.s32 $0x100;
	[tilespmem:v63+s29+$0x0] =	vst.idx.add.f32.msk vm3, v7;
	v7 =	vperm.xlane v6, v1  }
.LBB2_6:
0xbf: {  	v15 =	vld [tilespmem:s6+$0xFFFFFFA0];
	s5 =	sadd.s32 $0x8, s5;
	s4 =	sadd.s32 $0x80, s4;
	(xrf2) =	vadd.scan.msk.f32 $0xffff, v14  }
0xc0: {  	v16 =	vld [tilespmem:s4+$0xFFFFFF90];
	p0 =	slt.u32 s5, $0x1F8;
	v14, _, _ =	vpop (xrf2)  }
0xc1: {  	vm3 =	vne.s32 v6, v7;
	v17 =	vperm.xlane v9, v1;
	[tilespmem:v8+s29+$0x0] =	vst.idx.add.f32.msk vm4, v14;
	v19 =	vsub.f32 $0.0e+00, v14  }
0xc2: {  	v18 =	vperm.xlane v5, v1;
	vm6 =	vmor vm3, vm0;
	v14 =	vld [tilespmem:s6+$0xFFFFFFB0]  }
0xc3: {  	vm5 =	vne.s32 v9, v17;
	[tilespmem:v12+s29+$0x0] =	vst.idx.add.f32.msk vm2, v19;
	v8, _, _ =	vpop (xrf2)  }
0xc4: {  	vm4 =	vne.s32 v5, v18;
	v19 =	vld [tilespmem:s4+$0xFFFFFFE0];
	vm7 =	vmor vm5, vm0;
	(xrf2) =	vadd.scan.msk.f32 $0xffff, v13  }
0xc5: {  	vm8 =	vmor vm4, vm0;
	v12 =	vld [tilespmem:s6+$0xFFFFFFF0]  }
0xc6: {  	v20 =	vperm.xlane v3, v1;
	v13 =	vld [tilespmem:s6+$0x0];
	v21, _, _ =	vpop (xrf2)  }
0xc7: {  	v22 =	vld [tilespmem:s6+$0xFFFFFFE0];
	(xrf2) =	vadd.scan.msk.f32 $0xffff, v10  }
0xc8: {  	vm2 =	vne.s32 v3, v20;
	v10 =	vsub.f32 $0.0e+00, v11;
	[tilespmem:v6+s29+$0x0] =	vst.idx.add.f32.msk vm6, v21  }
0xc9: {  	v11 =	vsub.f32 $0.0e+00, v8;
	vm6 =	vmor vm2, vm0;
	v6 =	vld [tilespmem:s6+$0xFFFFFF90];
	v23, _, _ =	vpop (xrf2)  }
0xca: {  	[tilespmem:v9+s29+$0x0] =	vst.idx.add.f32.msk vm7, v23;
	v9 =	vsub.f32 $0.0e+00, v23;
	v23 =	vperm.xlane v2, v1  }
0xcb: {  	[tilespmem:v5+s29+$0x0] =	vst.idx.add.f32.msk vm8, v8;
	v5 =	vsub.f32 $0.0e+00, v21  }
0xcc: {  	[tilespmem:v17+s29+$0x0] =	vst.idx.add.f32.msk vm5, v9;
	vm5 =	vne.s32 v2, v23  }
0xcd: {  	vm7 =	vmor vm5, vm0;
	[tilespmem:v7+s29+$0x0] =	vst.idx.add.f32.msk vm3, v5  }
0xce: {  	v5 =	vld [tilespmem:s6+$0xFFFFFFD0];
	v7, _, _ =	vpop (xrf2)  }
0xcf: {  	[tilespmem:v3+s29+$0x0] =	vst.idx.add.f32.msk vm6, v7  }
0xd0: {  	[tilespmem:v18+s29+$0x0] =	vst.idx.add.f32.msk vm4, v11  }
0xd1: {  	[tilespmem:v4+s29+$0x0] =	vst.idx.add.f32.msk vm1, v10;
	v3, _, _ =	vpop (xrf2)  }
0xd2: {  	v4 =	vld.idx.msk [tilespmem:v6+s3+$0x0], $0xffff;
	v6 =	vsub.f32 $0.0e+00, v3  }
0xd3: {  	v7 =	vsub.f32 $0.0e+00, v7;
	[tilespmem:v2+s29+$0x0] =	vst.idx.add.f32.msk vm7, v3  }
0xd4: {  	[tilespmem:v23+s29+$0x0] =	vst.idx.add.f32.msk vm5, v6  }
0xd5: {  	v3 =	vld.idx.msk [tilespmem:v22+s3+$0x0], $0xffff  }
0xd6: {  	[tilespmem:v20+s29+$0x0] =	vst.idx.add.f32.msk vm2, v7  }
0xd7: {  	v7 =	vld.idx.msk [tilespmem:v5+s3+$0x0], $0xffff  }
0xd8: {  	v6 =	vld.idx.msk [tilespmem:v13+s3+$0x0], $0xffff;
	(xrf2) =	vadd.scan.msk.f32 $0xffff, v4  }
0xd9: {  	v9 =	vld [tilespmem:s6+$0xFFFFFFC0]  }
0xda: {  	v11 =	vperm.xlane v16, v1;
	v2 =	vld [tilespmem:s4+$0xFFFFFFC0]  }
0xdb: {  	v8 =	vld [tilespmem:s4+$0x0];
	(xrf2) =	vadd.scan.msk.f32 $0xffff, v3  }
0xdc: {  	vm3 =	vne.s32 v16, v11;
	v3 =	vld [tilespmem:s4+$0xFFFFFFA0]  }
0xdd: {  	vm4 =	vmor vm3, vm0;
	v4 =	vperm.xlane v19, v1;
	v5 =	vld [tilespmem:s4+$0xFFFFFFD0]  }
0xde: {  	v17 =	vld.idx.msk [tilespmem:v12+s3+$0x0], $0xffff;
	(xrf2) =	vadd.scan.msk.f32 $0xffff, v6  }
0xdf: {  	vm1 =	vne.s32 v19, v4;
	v14 =	vld.idx.msk [tilespmem:v14+s3+$0x0], $0xffff  }
0xe0: {  	vm5 =	vmor vm1, vm0;
	v6 =	vld [tilespmem:s4+$0xFFFFFFF0];
	v12 =	vperm.xlane v8, v1  }
0xe1: {  	v10 =	vld.idx.msk [tilespmem:v9+s3+$0x0], $0xffff;
	(xrf2) =	vadd.scan.msk.f32 $0xffff, v7  }
.Ltmp2:
0xe2: {  	v13 =	vld.idx.msk [tilespmem:v15+s3+$0x0], $0xffff;
	vm2 =	vne.s32 v8, v12;
	v7, _, _ =	vpop (xrf2);
	(pc) =	sbr.rel @p0 .LBB2_6-.Ltmp2, $4  }
0xe3: {  	[tilespmem:v16+s29+$0x0] =	vst.idx.add.f32.msk vm4, v7;
	v7 =	vsub.f32 $0.0e+00, v7;
	vm4 =	vmor vm2, vm0  }
0xe4: {  	v9 =	vld [tilespmem:s4+$0xFFFFFFB0];
	(xrf2) =	vadd.scan.msk.f32 $0xffff, v17  }
0xe5: {  	[tilespmem:v11+s29+$0x0] =	vst.idx.add.f32.msk vm3, v7;
	v7 =	vperm.xlane v6, v1;
	v11, _, _ =	vpop (xrf2)  }
0xe6: {  	s6 =	sadd.s32 $0x80, s6;
	[tilespmem:v19+s29+$0x0] =	vst.idx.add.f32.msk vm5, v11  }
0xe7: {  	(xrf2) =	vadd.scan.msk.f32 $0xffff, v14  }
0xe8: {  	v15 =	vperm.xlane v5, v1  }
0xe9: {  	vm3 =	vne.s32 v6, v7;
	v14 =	vperm.xlane v9, v1  }
0xea: {  	vm5 =	vmor vm3, vm0;
	vm8 =	vne.s32 v5, v15  }
0xeb: {  	(xrf2) =	vadd.scan.msk.f32 $0xffff, v13;
	vm9 =	vmor vm8, vm0;
	vm6 =	vne.s32 v9, v14  }
0xec: {  	v13, _, _ =	vpop (xrf2);
	vm7 =	vmor vm6, vm0  }
0xed: {  	v16 =	vperm.xlane v3, v1;
	(xrf2) =	vadd.scan.msk.f32 $0xffff, v10;
	v10 =	vsub.f32 $0.0e+00, v13  }
0xee: {  	[tilespmem:v8+s29+$0x0] =	vst.idx.add.f32.msk vm4, v13;
	v17, _, _ =	vpop (xrf2)  }
0xef: {  	vm4 =	vne.s32 v3, v16;
	[tilespmem:v12+s29+$0x0] =	vst.idx.add.f32.msk vm2, v10;
	v8, _, _ =	vpop (xrf2)  }
0xf0: {  	vm2 =	vmor vm4, vm0;
	v10 =	vperm.xlane v2, v1;
	[tilespmem:v6+s29+$0x0] =	vst.idx.add.f32.msk vm5, v8  }
0xf1: {  	[tilespmem:v5+s29+$0x0] =	vst.idx.add.f32.msk vm9, v17;
	v5 =	vsub.f32 $0.0e+00, v8;
	v6, _, _ =	vpop (xrf2)  }
0xf2: {  	vm5 =	vne.s32 v2, v10;
	[tilespmem:v9+s29+$0x0] =	vst.idx.add.f32.msk vm7, v6;
	v6 =	vsub.f32 $0.0e+00, v6  }
0xf3: {  	vm7 =	vmor vm5, vm0;
	[tilespmem:v7+s29+$0x0] =	vst.idx.add.f32.msk vm3, v5;
	v7 =	vsub.f32 $0.0e+00, v11  }
0xf4: {  	[tilespmem:v14+s29+$0x0] =	vst.idx.add.f32.msk vm6, v6  }
0xf5: {  	v6 =	vsub.f32 $0.0e+00, v17;
	v5, _, _ =	vpop (xrf2);
	[tilespmem:v4+s29+$0x0] =	vst.idx.add.f32.msk vm1, v7  }
0xf6: {  	[tilespmem:v3+s29+$0x0] =	vst.idx.add.f32.msk vm2, v5;
	v5 =	vsub.f32 $0.0e+00, v5  }
0xf7: {  	v3, _, _ =	vpop (xrf2);
	[tilespmem:v15+s29+$0x0] =	vst.idx.add.f32.msk vm8, v6  }
0xf8: {  	v4 =	vsub.f32 $0.0e+00, v3;
	[tilespmem:v16+s29+$0x0] =	vst.idx.add.f32.msk vm4, v5  }
0xf9: {  	[tilespmem:v2+s29+$0x0] =	vst.idx.add.f32.msk vm7, v3  }
0xfa: {  	[tilespmem:v10+s29+$0x0] =	vst.idx.add.f32.msk vm5, v4  }
0xfb: {  	_ =	strace $0x9000004D  }
0xfc: {  	_ =	strace $0x8000004E  }
0xfd: {  	_ =	swait.ge [sflag:s2], $0x1000  }
0xfe: {  	[sflag:s2] =	ssyncset.done $0x0  }
0xff: {  	[sflag:s2] =	ssyncadd.s32 $0xFFFFF000  }
0x100: {  	_ =	swait.ge [sflag:s2], $0x1000  }
0x101: {  	[sflag:s2] =	ssyncset.done $0x0  }
0x102: {  	[sflag:s2] =	ssyncadd.s32 $0xFFFFF000  }
0x103: {  	s4 =	simm.s32 $0x3080;
	_ =	strace $0x9000004E  }
0x104: {  	[tilespmem:s4], [sflag:$0x5] =	stream.linear.gather [hbm4b:s10+s3], $0x1000, $0x38;
	[tilespmem:$0x14080] =	vst v63  }
0x105: {  	s6 =	simm.s32 $0xB080  }
0x106: {  	[tilespmem:s6], [sflag:$0x5] =	stream.linear.gather [hbm4b:s11+s3], $0x1000, $0x38;
	[tilespmem:$0x14080] =	vst v63  }
0x107: {  	s5 =	simm.s32 $0x20F0;
	_ =	strace $0x8000004F  }
0x108: {  	v2 =	vld [tilespmem:s5+$0xFFFFFF90];
	_ =	sdelay $0x5  }
0x109: {  	v3 =	vld [tilespmem:s5+$0xFFFFFFE0]  }
0x10a: {  	v7 =	vld [tilespmem:s5+$0xFFFFFFA0]  }
0x10b: {  	v2 =	vld.idx.msk [tilespmem:v2+s3+$0x0], $0xffff  }
0x10c: {  	v4 =	vld [tilespmem:s5+$0xFFFFFFD0]  }
0x10d: {  	s4 =	simm.s32 $0xA0F0;
	v5 =	vld [tilespmem:s5+$0x0]  }
0x10e: {  	v9 =	vld [tilespmem:s4+$0xFFFFFF90]  }
0x10f: {  	v6 =	vld [tilespmem:s5+$0xFFFFFFB0]  }
0x110: {  	v10 =	vld [tilespmem:s5+$0xFFFFFFF0];
	(xrf2) =	vadd.scan.msk.f32 $0xffff, v2  }
0x111: {  	v3 =	vld.idx.msk [tilespmem:v3+s3+$0x0], $0xffff  }
0x112: {  	v15 =	vld [tilespmem:s4+$0xFFFFFFE0]  }
0x113: {  	v12 =	vld [tilespmem:s5+$0xFFFFFFC0]  }
0x114: {  	v8 =	vld [tilespmem:s4+$0x0]  }
0x115: {  	v63 =	vperm.xlane v9, v1;
	v62 =	vld.idx.msk [tilespmem:v5+s3+$0x0], $0xffff  }
0x116: {  	v11 =	vld.idx.msk [tilespmem:v4+s3+$0x0], $0xffff;
	(xrf2) =	vadd.scan.msk.f32 $0xffff, v3  }
0x117: {  	vm3 =	vne.s32 v9, v63;
	v5 =	vld [tilespmem:s4+$0xFFFFFFD0]  }
0x118: {  	vm2 =	vmor vm3, vm0;
	v4 =	vperm.xlane v15, v1;
	v18 =	vld.idx.msk [tilespmem:v10+s3+$0x0], $0xffff  }
0x119: {  	v14 =	vld.idx.msk [tilespmem:v6+s3+$0x0], $0xffff  }
0x11a: {  	v6 =	vld [tilespmem:s4+$0xFFFFFFF0];
	vm1 =	vne.s32 v15, v4;
	v19, _, _ =	vpop (xrf2);
	(xrf2) =	vadd.scan.msk.f32 $0xffff, v62  }
0x11b: {  	v10 =	vld.idx.msk [tilespmem:v12+s3+$0x0], $0xffff;
	vm5 =	vmor vm1, vm0  }
0x11c: {  	v12 =	vperm.xlane v8, v1;
	v13 =	vld.idx.msk [tilespmem:v7+s3+$0x0], $0xffff  }
0x11d: {  	v2 =	vld [tilespmem:s4+$0xFFFFFFC0];
	(xrf2) =	vadd.scan.msk.f32 $0xffff, v11  }
0x11e: {  	[tilespmem:v9+s29+$0x0] =	vst.idx.add.f32.msk vm2, v19;
	vm2 =	vne.s32 v8, v12  }
0x11f: {  	v3 =	vld [tilespmem:s4+$0xFFFFFFA0];
	vm4 =	vmor vm2, vm0  }
0x120: {  	v7 =	vsub.f32 $0.0e+00, v19;
	v9 =	vld [tilespmem:s4+$0xFFFFFFB0];
	v11, _, _ =	vpop (xrf2);
	(xrf2) =	vadd.scan.msk.f32 $0xffff, v18  }
0x121: {  	[tilespmem:v15+s29+$0x0] =	vst.idx.add.f32.msk vm5, v11  }
0x122: {  	s6 =	simm.s32 $0x2170;
	s5 =	simm.s32 $0x200;
	[tilespmem:v63+s29+$0x0] =	vst.idx.add.f32.msk vm3, v7;
	v7 =	vperm.xlane v6, v1  }
.LBB2_8:
0x123: {  	v15 =	vld [tilespmem:s6+$0xFFFFFFA0];
	s5 =	sadd.s32 $0x8, s5;
	s4 =	sadd.s32 $0x80, s4;
	(xrf2) =	vadd.scan.msk.f32 $0xffff, v14  }
0x124: {  	v16 =	vld [tilespmem:s4+$0xFFFFFF90];
	p0 =	slt.u32 s5, $0x2F8;
	v14, _, _ =	vpop (xrf2)  }
0x125: {  	vm3 =	vne.s32 v6, v7;
	v17 =	vperm.xlane v9, v1;
	[tilespmem:v8+s29+$0x0] =	vst.idx.add.f32.msk vm4, v14;
	v19 =	vsub.f32 $0.0e+00, v14  }
0x126: {  	v18 =	vperm.xlane v5, v1;
	vm6 =	vmor vm3, vm0;
	v14 =	vld [tilespmem:s6+$0xFFFFFFB0]  }
0x127: {  	vm5 =	vne.s32 v9, v17;
	[tilespmem:v12+s29+$0x0] =	vst.idx.add.f32.msk vm2, v19;
	v8, _, _ =	vpop (xrf2)  }
0x128: {  	vm4 =	vne.s32 v5, v18;
	v19 =	vld [tilespmem:s4+$0xFFFFFFE0];
	vm7 =	vmor vm5, vm0;
	(xrf2) =	vadd.scan.msk.f32 $0xffff, v13  }
0x129: {  	vm8 =	vmor vm4, vm0;
	v12 =	vld [tilespmem:s6+$0xFFFFFFF0]  }
0x12a: {  	v20 =	vperm.xlane v3, v1;
	v13 =	vld [tilespmem:s6+$0x0];
	v21, _, _ =	vpop (xrf2)  }
0x12b: {  	v22 =	vld [tilespmem:s6+$0xFFFFFFE0];
	(xrf2) =	vadd.scan.msk.f32 $0xffff, v10  }
0x12c: {  	vm2 =	vne.s32 v3, v20;
	v10 =	vsub.f32 $0.0e+00, v11;
	[tilespmem:v6+s29+$0x0] =	vst.idx.add.f32.msk vm6, v21  }
0x12d: {  	v11 =	vsub.f32 $0.0e+00, v8;
	vm6 =	vmor vm2, vm0;
	v6 =	vld [tilespmem:s6+$0xFFFFFF90];
	v23, _, _ =	vpop (xrf2)  }
0x12e: {  	[tilespmem:v9+s29+$0x0] =	vst.idx.add.f32.msk vm7, v23;
	v9 =	vsub.f32 $0.0e+00, v23;
	v23 =	vperm.xlane v2, v1  }
0x12f: {  	[tilespmem:v5+s29+$0x0] =	vst.idx.add.f32.msk vm8, v8;
	v5 =	vsub.f32 $0.0e+00, v21  }
0x130: {  	[tilespmem:v17+s29+$0x0] =	vst.idx.add.f32.msk vm5, v9;
	vm5 =	vne.s32 v2, v23  }
0x131: {  	vm7 =	vmor vm5, vm0;
	[tilespmem:v7+s29+$0x0] =	vst.idx.add.f32.msk vm3, v5  }
0x132: {  	v5 =	vld [tilespmem:s6+$0xFFFFFFD0];
	v7, _, _ =	vpop (xrf2)  }
0x133: {  	[tilespmem:v3+s29+$0x0] =	vst.idx.add.f32.msk vm6, v7  }
0x134: {  	[tilespmem:v18+s29+$0x0] =	vst.idx.add.f32.msk vm4, v11  }
0x135: {  	[tilespmem:v4+s29+$0x0] =	vst.idx.add.f32.msk vm1, v10;
	v3, _, _ =	vpop (xrf2)  }
0x136: {  	v4 =	vld.idx.msk [tilespmem:v6+s3+$0x0], $0xffff;
	v6 =	vsub.f32 $0.0e+00, v3  }
0x137: {  	v7 =	vsub.f32 $0.0e+00, v7;
	[tilespmem:v2+s29+$0x0] =	vst.idx.add.f32.msk vm7, v3  }
0x138: {  	[tilespmem:v23+s29+$0x0] =	vst.idx.add.f32.msk vm5, v6  }
0x139: {  	v3 =	vld.idx.msk [tilespmem:v22+s3+$0x0], $0xffff  }
0x13a: {  	[tilespmem:v20+s29+$0x0] =	vst.idx.add.f32.msk vm2, v7  }
0x13b: {  	v7 =	vld.idx.msk [tilespmem:v5+s3+$0x0], $0xffff  }
0x13c: {  	v6 =	vld.idx.msk [tilespmem:v13+s3+$0x0], $0xffff;
	(xrf2) =	vadd.scan.msk.f32 $0xffff, v4  }
0x13d: {  	v9 =	vld [tilespmem:s6+$0xFFFFFFC0]  }
0x13e: {  	v11 =	vperm.xlane v16, v1;
	v2 =	vld [tilespmem:s4+$0xFFFFFFC0]  }
0x13f: {  	v8 =	vld [tilespmem:s4+$0x0];
	(xrf2) =	vadd.scan.msk.f32 $0xffff, v3  }
0x140: {  	vm3 =	vne.s32 v16, v11;
	v3 =	vld [tilespmem:s4+$0xFFFFFFA0]  }
0x141: {  	vm4 =	vmor vm3, vm0;
	v4 =	vperm.xlane v19, v1;
	v5 =	vld [tilespmem:s4+$0xFFFFFFD0]  }
0x142: {  	v17 =	vld.idx.msk [tilespmem:v12+s3+$0x0], $0xffff;
	(xrf2) =	vadd.scan.msk.f32 $0xffff, v6  }
0x143: {  	vm1 =	vne.s32 v19, v4;
	v14 =	vld.idx.msk [tilespmem:v14+s3+$0x0], $0xffff  }
0x144: {  	vm5 =	vmor vm1, vm0;
	v6 =	vld [tilespmem:s4+$0xFFFFFFF0];
	v12 =	vperm.xlane v8, v1  }
0x145: {  	v10 =	vld.idx.msk [tilespmem:v9+s3+$0x0], $0xffff;
	(xrf2) =	vadd.scan.msk.f32 $0xffff, v7  }
.Ltmp3:
0x146: {  	v13 =	vld.idx.msk [tilespmem:v15+s3+$0x0], $0xffff;
	vm2 =	vne.s32 v8, v12;
	v7, _, _ =	vpop (xrf2);
	(pc) =	sbr.rel @p0 .LBB2_8-.Ltmp3, $4  }
0x147: {  	[tilespmem:v16+s29+$0x0] =	vst.idx.add.f32.msk vm4, v7;
	v7 =	vsub.f32 $0.0e+00, v7;
	vm4 =	vmor vm2, vm0  }
0x148: {  	v9 =	vld [tilespmem:s4+$0xFFFFFFB0];
	(xrf2) =	vadd.scan.msk.f32 $0xffff, v17  }
0x149: {  	[tilespmem:v11+s29+$0x0] =	vst.idx.add.f32.msk vm3, v7;
	v7 =	vperm.xlane v6, v1;
	v11, _, _ =	vpop (xrf2)  }
0x14a: {  	s6 =	sadd.s32 $0x80, s6;
	[tilespmem:v19+s29+$0x0] =	vst.idx.add.f32.msk vm5, v11  }
0x14b: {  	(xrf2) =	vadd.scan.msk.f32 $0xffff, v14  }
0x14c: {  	v15 =	vperm.xlane v5, v1  }
0x14d: {  	vm3 =	vne.s32 v6, v7;
	v14 =	vperm.xlane v9, v1  }
0x14e: {  	vm5 =	vmor vm3, vm0;
	vm8 =	vne.s32 v5, v15  }
0x14f: {  	(xrf2) =	vadd.scan.msk.f32 $0xffff, v13;
	vm9 =	vmor vm8, vm0;
	vm6 =	vne.s32 v9, v14  }
0x150: {  	v13, _, _ =	vpop (xrf2);
	vm7 =	vmor vm6, vm0  }
0x151: {  	v16 =	vperm.xlane v3, v1;
	(xrf2) =	vadd.scan.msk.f32 $0xffff, v10;
	v10 =	vsub.f32 $0.0e+00, v13  }
0x152: {  	[tilespmem:v8+s29+$0x0] =	vst.idx.add.f32.msk vm4, v13;
	v17, _, _ =	vpop (xrf2)  }
0x153: {  	vm4 =	vne.s32 v3, v16;
	[tilespmem:v12+s29+$0x0] =	vst.idx.add.f32.msk vm2, v10;
	v8, _, _ =	vpop (xrf2)  }
0x154: {  	vm2 =	vmor vm4, vm0;
	v10 =	vperm.xlane v2, v1;
	[tilespmem:v6+s29+$0x0] =	vst.idx.add.f32.msk vm5, v8  }
0x155: {  	[tilespmem:v5+s29+$0x0] =	vst.idx.add.f32.msk vm9, v17;
	v5 =	vsub.f32 $0.0e+00, v8;
	v6, _, _ =	vpop (xrf2)  }
0x156: {  	vm5 =	vne.s32 v2, v10;
	[tilespmem:v9+s29+$0x0] =	vst.idx.add.f32.msk vm7, v6;
	v6 =	vsub.f32 $0.0e+00, v6  }
0x157: {  	vm7 =	vmor vm5, vm0;
	[tilespmem:v7+s29+$0x0] =	vst.idx.add.f32.msk vm3, v5;
	v7 =	vsub.f32 $0.0e+00, v11  }
0x158: {  	[tilespmem:v14+s29+$0x0] =	vst.idx.add.f32.msk vm6, v6  }
0x159: {  	v6 =	vsub.f32 $0.0e+00, v17;
	v5, _, _ =	vpop (xrf2);
	[tilespmem:v4+s29+$0x0] =	vst.idx.add.f32.msk vm1, v7  }
0x15a: {  	[tilespmem:v3+s29+$0x0] =	vst.idx.add.f32.msk vm2, v5;
	v5 =	vsub.f32 $0.0e+00, v5  }
0x15b: {  	v3, _, _ =	vpop (xrf2);
	[tilespmem:v15+s29+$0x0] =	vst.idx.add.f32.msk vm8, v6  }
0x15c: {  	v4 =	vsub.f32 $0.0e+00, v3;
	[tilespmem:v16+s29+$0x0] =	vst.idx.add.f32.msk vm4, v5  }
0x15d: {  	[tilespmem:v2+s29+$0x0] =	vst.idx.add.f32.msk vm7, v3  }
0x15e: {  	[tilespmem:v10+s29+$0x0] =	vst.idx.add.f32.msk vm5, v4  }
0x15f: {  	_ =	strace $0x9000004F  }
0x160: {  	_ =	strace $0x80000050  }
0x161: {  	_ =	swait.ge [sflag:s26], $0x1000  }
0x162: {  	[sflag:s26] =	ssyncset.done $0x0  }
0x163: {  	[sflag:s26] =	ssyncadd.s32 $0xFFFFF000  }
0x164: {  	_ =	swait.ge [sflag:s26], $0x1000  }
0x165: {  	[sflag:s26] =	ssyncset.done $0x0  }
0x166: {  	[sflag:s26] =	ssyncadd.s32 $0xFFFFF000  }
0x167: {  	s4 =	simm.s32 $0x4080;
	_ =	strace $0x90000050  }
0x168: {  	[tilespmem:s4], [sflag:$0x6] =	stream.linear.gather [hbm4b:s12+s3], $0x1000, $0x38;
	[tilespmem:$0x14080] =	vst v63  }
0x169: {  	s6 =	simm.s32 $0xC080  }
0x16a: {  	[tilespmem:s6], [sflag:$0x6] =	stream.linear.gather [hbm4b:s13+s3], $0x1000, $0x38;
	[tilespmem:$0x14080] =	vst v63  }
0x16b: {  	s5 =	simm.s32 $0x30F0;
	_ =	strace $0x80000051  }
0x16c: {  	v2 =	vld [tilespmem:s5+$0xFFFFFF90];
	_ =	sdelay $0x5  }
0x16d: {  	v3 =	vld [tilespmem:s5+$0xFFFFFFE0]  }
0x16e: {  	v7 =	vld [tilespmem:s5+$0xFFFFFFA0]  }
0x16f: {  	v2 =	vld.idx.msk [tilespmem:v2+s3+$0x0], $0xffff  }
0x170: {  	v4 =	vld [tilespmem:s5+$0xFFFFFFD0]  }
0x171: {  	s4 =	simm.s32 $0xB0F0;
	v5 =	vld [tilespmem:s5+$0x0]  }
0x172: {  	v9 =	vld [tilespmem:s4+$0xFFFFFF90]  }
0x173: {  	v6 =	vld [tilespmem:s5+$0xFFFFFFB0]  }
0x174: {  	v10 =	vld [tilespmem:s5+$0xFFFFFFF0];
	(xrf2) =	vadd.scan.msk.f32 $0xffff, v2  }
0x175: {  	v3 =	vld.idx.msk [tilespmem:v3+s3+$0x0], $0xffff  }
0x176: {  	v15 =	vld [tilespmem:s4+$0xFFFFFFE0]  }
0x177: {  	v12 =	vld [tilespmem:s5+$0xFFFFFFC0]  }
0x178: {  	v8 =	vld [tilespmem:s4+$0x0]  }
0x179: {  	v63 =	vperm.xlane v9, v1;
	v62 =	vld.idx.msk [tilespmem:v5+s3+$0x0], $0xffff  }
0x17a: {  	v11 =	vld.idx.msk [tilespmem:v4+s3+$0x0], $0xffff;
	(xrf2) =	vadd.scan.msk.f32 $0xffff, v3  }
0x17b: {  	vm3 =	vne.s32 v9, v63;
	v5 =	vld [tilespmem:s4+$0xFFFFFFD0]  }
0x17c: {  	vm2 =	vmor vm3, vm0;
	v4 =	vperm.xlane v15, v1;
	v18 =	vld.idx.msk [tilespmem:v10+s3+$0x0], $0xffff  }
0x17d: {  	v14 =	vld.idx.msk [tilespmem:v6+s3+$0x0], $0xffff  }
0x17e: {  	v6 =	vld [tilespmem:s4+$0xFFFFFFF0];
	vm1 =	vne.s32 v15, v4;
	v19, _, _ =	vpop (xrf2);
	(xrf2) =	vadd.scan.msk.f32 $0xffff, v62  }
0x17f: {  	v10 =	vld.idx.msk [tilespmem:v12+s3+$0x0], $0xffff;
	vm5 =	vmor vm1, vm0  }
0x180: {  	v12 =	vperm.xlane v8, v1;
	v13 =	vld.idx.msk [tilespmem:v7+s3+$0x0], $0xffff  }
0x181: {  	v2 =	vld [tilespmem:s4+$0xFFFFFFC0];
	(xrf2) =	vadd.scan.msk.f32 $0xffff, v11  }
0x182: {  	[tilespmem:v9+s29+$0x0] =	vst.idx.add.f32.msk vm2, v19;
	vm2 =	vne.s32 v8, v12  }
0x183: {  	v3 =	vld [tilespmem:s4+$0xFFFFFFA0];
	vm4 =	vmor vm2, vm0  }
0x184: {  	v7 =	vsub.f32 $0.0e+00, v19;
	v9 =	vld [tilespmem:s4+$0xFFFFFFB0];
	v11, _, _ =	vpop (xrf2);
	(xrf2) =	vadd.scan.msk.f32 $0xffff, v18  }
0x185: {  	[tilespmem:v15+s29+$0x0] =	vst.idx.add.f32.msk vm5, v11  }
0x186: {  	s6 =	simm.s32 $0x3170;
	s5 =	simm.s32 $0x300;
	[tilespmem:v63+s29+$0x0] =	vst.idx.add.f32.msk vm3, v7;
	v7 =	vperm.xlane v6, v1  }
.LBB2_10:
0x187: {  	v15 =	vld [tilespmem:s6+$0xFFFFFFA0];
	s5 =	sadd.s32 $0x8, s5;
	s4 =	sadd.s32 $0x80, s4;
	(xrf2) =	vadd.scan.msk.f32 $0xffff, v14  }
0x188: {  	v16 =	vld [tilespmem:s4+$0xFFFFFF90];
	p0 =	slt.u32 s5, $0x3F8;
	v14, _, _ =	vpop (xrf2)  }
0x189: {  	vm3 =	vne.s32 v6, v7;
	v17 =	vperm.xlane v9, v1;
	[tilespmem:v8+s29+$0x0] =	vst.idx.add.f32.msk vm4, v14;
	v19 =	vsub.f32 $0.0e+00, v14  }
0x18a: {  	v18 =	vperm.xlane v5, v1;
	vm6 =	vmor vm3, vm0;
	v14 =	vld [tilespmem:s6+$0xFFFFFFB0]  }
0x18b: {  	vm5 =	vne.s32 v9, v17;
	[tilespmem:v12+s29+$0x0] =	vst.idx.add.f32.msk vm2, v19;
	v8, _, _ =	vpop (xrf2)  }
0x18c: {  	vm4 =	vne.s32 v5, v18;
	v19 =	vld [tilespmem:s4+$0xFFFFFFE0];
	vm7 =	vmor vm5, vm0;
	(xrf2) =	vadd.scan.msk.f32 $0xffff, v13  }
0x18d: {  	vm8 =	vmor vm4, vm0;
	v12 =	vld [tilespmem:s6+$0xFFFFFFF0]  }
0x18e: {  	v20 =	vperm.xlane v3, v1;
	v13 =	vld [tilespmem:s6+$0x0];
	v21, _, _ =	vpop (xrf2)  }
0x18f: {  	v22 =	vld [tilespmem:s6+$0xFFFFFFE0];
	(xrf2) =	vadd.scan.msk.f32 $0xffff, v10  }
0x190: {  	vm2 =	vne.s32 v3, v20;
	v10 =	vsub.f32 $0.0e+00, v11;
	[tilespmem:v6+s29+$0x0] =	vst.idx.add.f32.msk vm6, v21  }
0x191: {  	v11 =	vsub.f32 $0.0e+00, v8;
	vm6 =	vmor vm2, vm0;
	v6 =	vld [tilespmem:s6+$0xFFFFFF90];
	v23, _, _ =	vpop (xrf2)  }
0x192: {  	[tilespmem:v9+s29+$0x0] =	vst.idx.add.f32.msk vm7, v23;
	v9 =	vsub.f32 $0.0e+00, v23;
	v23 =	vperm.xlane v2, v1  }
0x193: {  	[tilespmem:v5+s29+$0x0] =	vst.idx.add.f32.msk vm8, v8;
	v5 =	vsub.f32 $0.0e+00, v21  }
0x194: {  	[tilespmem:v17+s29+$0x0] =	vst.idx.add.f32.msk vm5, v9;
	vm5 =	vne.s32 v2, v23  }
0x195: {  	vm7 =	vmor vm5, vm0;
	[tilespmem:v7+s29+$0x0] =	vst.idx.add.f32.msk vm3, v5  }
0x196: {  	v5 =	vld [tilespmem:s6+$0xFFFFFFD0];
	v7, _, _ =	vpop (xrf2)  }
0x197: {  	[tilespmem:v3+s29+$0x0] =	vst.idx.add.f32.msk vm6, v7  }
0x198: {  	[tilespmem:v18+s29+$0x0] =	vst.idx.add.f32.msk vm4, v11  }
0x199: {  	[tilespmem:v4+s29+$0x0] =	vst.idx.add.f32.msk vm1, v10;
	v3, _, _ =	vpop (xrf2)  }
0x19a: {  	v4 =	vld.idx.msk [tilespmem:v6+s3+$0x0], $0xffff;
	v6 =	vsub.f32 $0.0e+00, v3  }
0x19b: {  	v7 =	vsub.f32 $0.0e+00, v7;
	[tilespmem:v2+s29+$0x0] =	vst.idx.add.f32.msk vm7, v3  }
0x19c: {  	[tilespmem:v23+s29+$0x0] =	vst.idx.add.f32.msk vm5, v6  }
0x19d: {  	v3 =	vld.idx.msk [tilespmem:v22+s3+$0x0], $0xffff  }
0x19e: {  	[tilespmem:v20+s29+$0x0] =	vst.idx.add.f32.msk vm2, v7  }
0x19f: {  	v7 =	vld.idx.msk [tilespmem:v5+s3+$0x0], $0xffff  }
0x1a0: {  	v6 =	vld.idx.msk [tilespmem:v13+s3+$0x0], $0xffff;
	(xrf2) =	vadd.scan.msk.f32 $0xffff, v4  }
0x1a1: {  	v9 =	vld [tilespmem:s6+$0xFFFFFFC0]  }
0x1a2: {  	v11 =	vperm.xlane v16, v1;
	v2 =	vld [tilespmem:s4+$0xFFFFFFC0]  }
0x1a3: {  	v8 =	vld [tilespmem:s4+$0x0];
	(xrf2) =	vadd.scan.msk.f32 $0xffff, v3  }
0x1a4: {  	vm3 =	vne.s32 v16, v11;
	v3 =	vld [tilespmem:s4+$0xFFFFFFA0]  }
0x1a5: {  	vm4 =	vmor vm3, vm0;
	v4 =	vperm.xlane v19, v1;
	v5 =	vld [tilespmem:s4+$0xFFFFFFD0]  }
0x1a6: {  	v17 =	vld.idx.msk [tilespmem:v12+s3+$0x0], $0xffff;
	(xrf2) =	vadd.scan.msk.f32 $0xffff, v6  }
0x1a7: {  	vm1 =	vne.s32 v19, v4;
	v14 =	vld.idx.msk [tilespmem:v14+s3+$0x0], $0xffff  }
0x1a8: {  	vm5 =	vmor vm1, vm0;
	v6 =	vld [tilespmem:s4+$0xFFFFFFF0];
	v12 =	vperm.xlane v8, v1  }
0x1a9: {  	v10 =	vld.idx.msk [tilespmem:v9+s3+$0x0], $0xffff;
	(xrf2) =	vadd.scan.msk.f32 $0xffff, v7  }
.Ltmp4:
0x1aa: {  	v13 =	vld.idx.msk [tilespmem:v15+s3+$0x0], $0xffff;
	vm2 =	vne.s32 v8, v12;
	v7, _, _ =	vpop (xrf2);
	(pc) =	sbr.rel @p0 .LBB2_10-.Ltmp4, $4  }
0x1ab: {  	[tilespmem:v16+s29+$0x0] =	vst.idx.add.f32.msk vm4, v7;
	v7 =	vsub.f32 $0.0e+00, v7;
	vm4 =	vmor vm2, vm0  }
0x1ac: {  	v9 =	vld [tilespmem:s4+$0xFFFFFFB0];
	(xrf2) =	vadd.scan.msk.f32 $0xffff, v17  }
0x1ad: {  	[tilespmem:v11+s29+$0x0] =	vst.idx.add.f32.msk vm3, v7;
	v7 =	vperm.xlane v6, v1;
	v11, _, _ =	vpop (xrf2)  }
0x1ae: {  	s6 =	sadd.s32 $0x80, s6;
	[tilespmem:v19+s29+$0x0] =	vst.idx.add.f32.msk vm5, v11  }
0x1af: {  	(xrf2) =	vadd.scan.msk.f32 $0xffff, v14  }
0x1b0: {  	v15 =	vperm.xlane v5, v1  }
0x1b1: {  	vm3 =	vne.s32 v6, v7;
	v14 =	vperm.xlane v9, v1  }
0x1b2: {  	vm5 =	vmor vm3, vm0;
	vm8 =	vne.s32 v5, v15  }
0x1b3: {  	(xrf2) =	vadd.scan.msk.f32 $0xffff, v13;
	vm9 =	vmor vm8, vm0;
	vm6 =	vne.s32 v9, v14  }
0x1b4: {  	v13, _, _ =	vpop (xrf2);
	vm7 =	vmor vm6, vm0  }
0x1b5: {  	v16 =	vperm.xlane v3, v1;
	(xrf2) =	vadd.scan.msk.f32 $0xffff, v10;
	v10 =	vsub.f32 $0.0e+00, v13  }
0x1b6: {  	[tilespmem:v8+s29+$0x0] =	vst.idx.add.f32.msk vm4, v13;
	v17, _, _ =	vpop (xrf2)  }
0x1b7: {  	vm4 =	vne.s32 v3, v16;
	[tilespmem:v12+s29+$0x0] =	vst.idx.add.f32.msk vm2, v10;
	v8, _, _ =	vpop (xrf2)  }
0x1b8: {  	vm2 =	vmor vm4, vm0;
	v10 =	vperm.xlane v2, v1;
	[tilespmem:v6+s29+$0x0] =	vst.idx.add.f32.msk vm5, v8  }
0x1b9: {  	[tilespmem:v5+s29+$0x0] =	vst.idx.add.f32.msk vm9, v17;
	v5 =	vsub.f32 $0.0e+00, v8;
	v6, _, _ =	vpop (xrf2)  }
0x1ba: {  	vm5 =	vne.s32 v2, v10;
	[tilespmem:v9+s29+$0x0] =	vst.idx.add.f32.msk vm7, v6;
	v6 =	vsub.f32 $0.0e+00, v6  }
0x1bb: {  	vm7 =	vmor vm5, vm0;
	[tilespmem:v7+s29+$0x0] =	vst.idx.add.f32.msk vm3, v5;
	v7 =	vsub.f32 $0.0e+00, v11  }
0x1bc: {  	[tilespmem:v14+s29+$0x0] =	vst.idx.add.f32.msk vm6, v6  }
0x1bd: {  	v6 =	vsub.f32 $0.0e+00, v17;
	v5, _, _ =	vpop (xrf2);
	[tilespmem:v4+s29+$0x0] =	vst.idx.add.f32.msk vm1, v7  }
0x1be: {  	[tilespmem:v3+s29+$0x0] =	vst.idx.add.f32.msk vm2, v5;
	v5 =	vsub.f32 $0.0e+00, v5  }
0x1bf: {  	v3, _, _ =	vpop (xrf2);
	[tilespmem:v15+s29+$0x0] =	vst.idx.add.f32.msk vm8, v6  }
0x1c0: {  	v4 =	vsub.f32 $0.0e+00, v3;
	[tilespmem:v16+s29+$0x0] =	vst.idx.add.f32.msk vm4, v5  }
0x1c1: {  	[tilespmem:v2+s29+$0x0] =	vst.idx.add.f32.msk vm7, v3  }
0x1c2: {  	[tilespmem:v10+s29+$0x0] =	vst.idx.add.f32.msk vm5, v4  }
0x1c3: {  	_ =	strace $0x90000051  }
0x1c4: {  	_ =	strace $0x80000052  }
0x1c5: {  	_ =	swait.ge [sflag:s0], $0x1000  }
0x1c6: {  	[sflag:s0] =	ssyncset.done $0x0  }
0x1c7: {  	[sflag:s0] =	ssyncadd.s32 $0xFFFFF000  }
0x1c8: {  	_ =	swait.ge [sflag:s0], $0x1000  }
0x1c9: {  	[sflag:s0] =	ssyncset.done $0x0  }
0x1ca: {  	[sflag:s0] =	ssyncadd.s32 $0xFFFFF000  }
0x1cb: {  	s4 =	simm.s32 $0x0;
	s5 =	simm.s32 $0x5080;
	_ =	strace $0x90000052  }
0x1cc: {  	[tilespmem:s5], [sflag:$0x7] =	stream.linear.gather [hbm4b:s14+s4], $0x1000, $0x38;
	[tilespmem:$0x14080] =	vst v63  }
0x1cd: {  	s6 =	simm.s32 $0xD080  }
0x1ce: {  	[tilespmem:s6], [sflag:$0x7] =	stream.linear.gather [hbm4b:s15+s4], $0x1000, $0x38;
	[tilespmem:$0x14080] =	vst v63  }
0x1cf: {  	s4 =	simm.s32 $0x0;
	_ =	strace $0x80000053  }
0x1d0: {  	v6 =	vld [tilespmem:s4+$0xC0B0]  }
0x1d1: {  	v5 =	vld [tilespmem:s4+$0x40F0]  }
0x1d2: {  	v4 =	vld [tilespmem:s4+$0xC0C0]  }
0x1d3: {  	v7 =	vld [tilespmem:s4+$0xC0F0]  }
0x1d4: {  	v3 =	vld [tilespmem:s4+$0x40B0]  }
0x1d5: {  	v8 =	vld [tilespmem:s4+$0x40C0]  }
0x1d6: {  	v9 =	vld [tilespmem:s4+$0x40D0]  }
0x1d7: {  	v10 =	vld [tilespmem:s4+$0x4080]  }
0x1d8: {  	v11 =	vld [tilespmem:s4+$0x40E0]  }
0x1d9: {  	v19 =	vld.idx.msk [tilespmem:v5+s3+$0x0], $0xffff  }
0x1da: {  	v2 =	vld [tilespmem:s4+$0xC0D0]  }
0x1db: {  	v16 =	vld [tilespmem:s4+$0x40A0]  }
0x1dc: {  	v18 =	vld.idx.msk [tilespmem:v3+s3+$0x0], $0xffff  }
0x1dd: {  	v14 =	vld [tilespmem:s4+$0x4090]  }
0x1de: {  	v8 =	vld.idx.msk [tilespmem:v8+s3+$0x0], $0xffff;
	(xrf2) =	vadd.scan.msk.f32 $0xffff, v19  }
0x1df: {  	v13 =	vld.idx.msk [tilespmem:v9+s3+$0x0], $0xffff  }
0x1e0: {  	v15 =	vld.idx.msk [tilespmem:v10+s3+$0x0], $0xffff;
	v5 =	vperm.xlane v7, v1  }
0x1e1: {  	v17 =	vld.idx.msk [tilespmem:v11+s3+$0x0], $0xffff;
	(xrf2) =	vadd.scan.msk.f32 $0xffff, v18  }
0x1e2: {  	v12 =	vperm.xlane v6, v1;
	v11 =	vld [tilespmem:s4+$0xC0E0];
	vm2 =	vne.s32 v7, v5  }
0x1e3: {  	v3 =	vperm.xlane v2, v1;
	v9 =	vperm.xlane v4, v1;
	v16 =	vld.idx.msk [tilespmem:v16+s3+$0x0], $0xffff;
	vm8 =	vmor vm2, vm0  }
0x1e4: {  	vm5 =	vne.s32 v6, v12;
	v10 =	vld [tilespmem:s4+$0xC0A0];
	(xrf2) =	vadd.scan.msk.f32 $0xffff, v8  }
0x1e5: {  	v14 =	vld.idx.msk [tilespmem:v14+s3+$0x0], $0xffff;
	vm7 =	vmor vm5, vm0;
	vm1 =	vne.s32 v2, v3;
	vm4 =	vne.s32 v4, v9  }
0x1e6: {  	s5 =	simm.s32 $0x400;
	s6 =	simm.s32 $0x200;
	vm3 =	vmor vm1, vm0;
	vm1 =	vmmov vm1;
	vm6 =	vmor vm4, vm0;
	v8 =	vld [tilespmem:s4+$0xC090]  }
.LBB2_12:
0x1e7: {  	s5 =	sadd.s32 $0x8, s5;
	v18 =	vld [tilespmem:s4+$0xC080];
	s4 =	sshra.s32 s6, $0x2  }
0x1e8: {  	v19 =	vld [tilespmem:s4+$0xC0B0];
	p0 =	slt.u32 s5, $0x4F8;
	(xrf2) =	vadd.scan.msk.f32 $0xffff, v17;
	v17, _, _ =	vpop (xrf2)  }
0x1e9: {  	v20 =	vperm.xlane v10, v1;
	[tilespmem:v7+s29+$0x0] =	vst.idx.add.f32.msk vm8, v17  }
0x1ea: {  	v21 =	vld [tilespmem:s4+$0xC0C0]  }
0x1eb: {  	v7 =	vld [tilespmem:s4+$0xC0F0];
	vm8 =	vne.s32 v10, v20;
	(xrf2) =	vadd.scan.msk.f32 $0xffff, v15;
	v15, _, _ =	vpop (xrf2)  }
0x1ec: {  	v22 =	vperm.xlane v11, v1;
	vm9 =	vmor vm8, vm0;
	[tilespmem:v6+s29+$0x0] =	vst.idx.add.f32.msk vm7, v15  }
0x1ed: {  	v15 =	vsub.f32 $0.0e+00, v15;
	v23 =	vld [tilespmem:s4+$0xC0D0];
	v6 =	vmov v19  }
0x1ee: {  	vm7 =	vne.s32 v11, v22;
	v19 =	vld [tilespmem:s4+$0x4080];
	(xrf2) =	vadd.scan.msk.f32 $0xffff, v16;
	v16, _, _ =	vpop (xrf2)  }
0x1ef: {  	vm10 =	vmor vm7, vm0;
	v24 =	vld [tilespmem:s4+$0x4090]  }
0x1f0: {  	v25 =	vld [tilespmem:s4+$0x40F0]  }
0x1f1: {  	[tilespmem:v4+s29+$0x0] =	vst.idx.add.f32.msk vm6, v16;
	(xrf2) =	vadd.scan.msk.f32 $0xffff, v13;
	v4 =	vmov v21  }
0x1f2: {  	v13 =	vld [tilespmem:s4+$0x40B0];
	v21, _, _ =	vpop (xrf2)  }
0x1f3: {  	v26 =	vld [tilespmem:s4+$0x40A0]  }
0x1f4: {  	v27 =	vperm.xlane v18, v1;
	[tilespmem:v12+s29+$0x0] =	vst.idx.add.f32.msk vm5, v15  }
0x1f5: {  	v12 =	vsub.f32 $0.0e+00, v16;
	[tilespmem:v11+s29+$0x0] =	vst.idx.add.f32.msk vm10, v21;
	v11, _, _ =	vpop (xrf2)  }
0x1f6: {  	vm5 =	vne.s32 v18, v27;
	v16 =	vld [tilespmem:s4+$0x40E0];
	(xrf2) =	vadd.scan.msk.f32 $0xffff, v14  }
0x1f7: {  	vm6 =	vmor vm5, vm0;
	[tilespmem:v9+s29+$0x0] =	vst.idx.add.f32.msk vm4, v12  }
0x1f8: {  	v9 =	vsub.f32 $0.0e+00, v11;
	v12 =	vld [tilespmem:s4+$0x40D0];
	v14, _, _ =	vpop (xrf2)  }
0x1f9: {  	v28 =	vperm.xlane v8, v1;
	v15 =	vperm.xlane v23, v1;
	[tilespmem:v10+s29+$0x0] =	vst.idx.add.f32.msk vm9, v14;
	v29 =	vsub.f32 $0.0e+00, v14  }
0x1fa: {  	v14 =	vld [tilespmem:s4+$0x40C0]  }
0x1fb: {  	vm4 =	vne.s32 v23, v15;
	vm9 =	vne.s32 v8, v28;
	[tilespmem:v20+s29+$0x0] =	vst.idx.add.f32.msk vm8, v29;
	v10, _, _ =	vpop (xrf2)  }
0x1fc: {  	v17 =	vsub.f32 $0.0e+00, v17;
	vm8 =	vmor vm9, vm0;
	[tilespmem:v2+s29+$0x0] =	vst.idx.add.f32.msk vm3, v10;
	v2 =	vmov v23  }
0x1fd: {  	[tilespmem:v18+s29+$0x0] =	vst.idx.add.f32.msk vm6, v11  }
0x1fe: {  	v11 =	vsub.f32 $0.0e+00, v21;
	[tilespmem:v5+s29+$0x0] =	vst.idx.add.f32.msk vm2, v17  }
0x1ff: {  	v18 =	vld.idx.msk [tilespmem:v13+s3+$0x0], $0xffff  }
0x200: {  	vm3 =	vmor vm4, vm0;
	v5 =	vperm.xlane v7, v1;
	v13 =	vld.idx.msk [tilespmem:v25+s3+$0x0], $0xffff;
	v17, _, _ =	vpop (xrf2)  }
0x201: {  	v10 =	vsub.f32 $0.0e+00, v10;
	[tilespmem:v27+s29+$0x0] =	vst.idx.add.f32.msk vm5, v9;
	v9 =	vsub.f32 $0.0e+00, v17  }
0x202: {  	vm2 =	vne.s32 v7, v5;
	[tilespmem:v8+s29+$0x0] =	vst.idx.add.f32.msk vm8, v17  }
0x203: {  	vm8 =	vmor vm2, vm0;
	[tilespmem:v28+s29+$0x0] =	vst.idx.add.f32.msk vm9, v9  }
0x204: {  	v9 =	vperm.xlane v4, v1;
	[tilespmem:v3+s29+$0x0] =	vst.idx.add.f32.msk vm1, v10;
	v3 =	vmov v15;
	vm1 =	vmmov vm4  }
0x205: {  	[tilespmem:v22+s29+$0x0] =	vst.idx.add.f32.msk vm7, v11  }
0x206: {  	vm4 =	vne.s32 v4, v9;
	v8 =	vld.idx.msk [tilespmem:v14+s3+$0x0], $0xffff;
	(xrf2) =	vadd.scan.msk.f32 $0xffff, v13  }
0x207: {  	vm6 =	vmor vm4, vm0;
	v13 =	vld.idx.msk [tilespmem:v12+s3+$0x0], $0xffff  }
0x208: {  	v12 =	vperm.xlane v6, v1;
	v15 =	vld.idx.msk [tilespmem:v19+s3+$0x0], $0xffff  }
0x209: {  	v17 =	vld.idx.msk [tilespmem:v16+s3+$0x0], $0xffff;
	(xrf2) =	vadd.scan.msk.f32 $0xffff, v18  }
.Ltmp5:
0x20a: {  	vm5 =	vne.s32 v6, v12;
	v11 =	vld [tilespmem:s4+$0xC0E0];
	(pc) =	sbr.rel @p0 .LBB2_12-.Ltmp5, $4  }
0x20b: {  	vm7 =	vmor vm5, vm0;
	v16 =	vld.idx.msk [tilespmem:v26+s3+$0x0], $0xffff  }
0x20c: {  	v10 =	vld [tilespmem:s4+$0xC0A0];
	(xrf2) =	vadd.scan.msk.f32 $0xffff, v8  }
0x20d: {  	v14 =	vld.idx.msk [tilespmem:v24+s3+$0x0], $0xffff  }
0x20e: {  	s6 =	sadd.s32 $0x200, s6;
	v8 =	vld [tilespmem:s4+$0xC090]  }
0x20f: {  	(xrf2) =	vadd.scan.msk.f32 $0xffff, v17  }
0x210: {  	(xrf2) =	vadd.scan.msk.f32 $0xffff, v15  }
0x211: {  	(xrf2) =	vadd.scan.msk.f32 $0xffff, v16  }
0x212: {  	v16 =	vperm.xlane v11, v1;
	_ =	sdelay $0x1  }
0x213: {  	v15 =	vld [tilespmem:s4+$0xC080];
	(xrf2) =	vadd.scan.msk.f32 $0xffff, v13;
	v13, _, _ =	vpop (xrf2);
	vm9 =	vne.s32 v11, v16  }
0x214: {  	[tilespmem:v7+s29+$0x0] =	vst.idx.add.f32.msk vm8, v13;
	v7, _, _ =	vpop (xrf2);
	vm10 =	vmor vm9, vm0  }
0x215: {  	v17 =	vperm.xlane v10, v1;
	[tilespmem:v6+s29+$0x0] =	vst.idx.add.f32.msk vm7, v7;
	v6 =	vsub.f32 $0.0e+00, v7;
	_ =	sdelay $0x1  }
0x216: {  	vm11 =	vne.s32 v10, v17;
	(xrf2) =	vadd.scan.msk.f32 $0xffff, v14;
	v14, _, _ =	vpop (xrf2)  }
0x217: {  	vm8 =	vmor vm11, vm0;
	[tilespmem:v12+s29+$0x0] =	vst.idx.add.f32.msk vm5, v6;
	v7, _, _ =	vpop (xrf2)  }
0x218: {  	v18 =	vperm.xlane v15, v1;
	[tilespmem:v4+s29+$0x0] =	vst.idx.add.f32.msk vm6, v14;
	v4 =	vsub.f32 $0.0e+00, v14;
	v6, _, _ =	vpop (xrf2)  }
0x219: {  	[tilespmem:v11+s29+$0x0] =	vst.idx.add.f32.msk vm10, v7;
	v11, _, _ =	vpop (xrf2)  }
0x21a: {  	vm6 =	vne.s32 v15, v18;
	[tilespmem:v9+s29+$0x0] =	vst.idx.add.f32.msk vm4, v4;
	v4 =	vsub.f32 $0.0e+00, v11  }
0x21b: {  	vm5 =	vmor vm6, vm0  }
0x21c: {  	v12 =	vperm.xlane v8, v1  }
0x21d: {  	[tilespmem:v10+s29+$0x0] =	vst.idx.add.f32.msk vm8, v11  }
0x21e: {  	vm4 =	vne.s32 v8, v12;
	[tilespmem:v17+s29+$0x0] =	vst.idx.add.f32.msk vm11, v4;
	v4, _, _ =	vpop (xrf2)  }
0x21f: {  	vm7 =	vmor vm4, vm0;
	[tilespmem:v2+s29+$0x0] =	vst.idx.add.f32.msk vm3, v4;
	v2 =	vsub.f32 $0.0e+00, v13  }
0x220: {  	v9 =	vsub.f32 $0.0e+00, v6  }
0x221: {  	[tilespmem:v15+s29+$0x0] =	vst.idx.add.f32.msk vm5, v6  }
0x222: {  	[tilespmem:v18+s29+$0x0] =	vst.idx.add.f32.msk vm6, v9;
	v4 =	vsub.f32 $0.0e+00, v4  }
0x223: {  	[tilespmem:v5+s29+$0x0] =	vst.idx.add.f32.msk vm2, v2;
	v2, _, _ =	vpop (xrf2)  }
0x224: {  	[tilespmem:v3+s29+$0x0] =	vst.idx.add.f32.msk vm1, v4;
	v5 =	vsub.f32 $0.0e+00, v2  }
0x225: {  	[tilespmem:v8+s29+$0x0] =	vst.idx.add.f32.msk vm7, v2;
	v2 =	vsub.f32 $0.0e+00, v7  }
0x226: {  	[tilespmem:v12+s29+$0x0] =	vst.idx.add.f32.msk vm4, v5  }
0x227: {  	[tilespmem:v16+s29+$0x0] =	vst.idx.add.f32.msk vm9, v2  }
0x228: {  	_ =	strace $0x90000053  }
0x229: {  	_ =	strace $0x80000054  }
0x22a: {  	_ =	swait.ge [sflag:s28], $0x1000  }
0x22b: {  	[sflag:s28] =	ssyncset.done $0x0  }
0x22c: {  	[sflag:s28] =	ssyncadd.s32 $0xFFFFF000  }
0x22d: {  	_ =	swait.ge [sflag:s28], $0x1000  }
0x22e: {  	[sflag:s28] =	ssyncset.done $0x0  }
0x22f: {  	[sflag:s28] =	ssyncadd.s32 $0xFFFFF000  }
0x230: {  	s5 =	simm.s32 $0x6080;
	s4 =	simm.s32 $0x0;
	_ =	strace $0x90000054  }
0x231: {  	[tilespmem:s5], [sflag:$0x8] =	stream.linear.gather [hbm4b:s16+s4], $0x1000, $0x38;
	[tilespmem:$0x14080] =	vst v63  }
0x232: {  	s6 =	simm.s32 $0xE080  }
0x233: {  	[tilespmem:s6], [sflag:$0x8] =	stream.linear.gather [hbm4b:s17+s4], $0x1000, $0x38;
	[tilespmem:$0x14080] =	vst v63  }
0x234: {  	s4 =	simm.s32 $0x0;
	_ =	strace $0x80000055  }
0x235: {  	v6 =	vld [tilespmem:s4+$0xD0B0]  }
0x236: {  	v5 =	vld [tilespmem:s4+$0x50F0]  }
0x237: {  	v4 =	vld [tilespmem:s4+$0xD0C0]  }
0x238: {  	v7 =	vld [tilespmem:s4+$0xD0F0]  }
0x239: {  	v3 =	vld [tilespmem:s4+$0x50B0]  }
0x23a: {  	v8 =	vld [tilespmem:s4+$0x50C0]  }
0x23b: {  	v9 =	vld [tilespmem:s4+$0x50D0]  }
0x23c: {  	v10 =	vld [tilespmem:s4+$0x5080]  }
0x23d: {  	v11 =	vld [tilespmem:s4+$0x50E0]  }
0x23e: {  	v19 =	vld.idx.msk [tilespmem:v5+s3+$0x0], $0xffff  }
0x23f: {  	v2 =	vld [tilespmem:s4+$0xD0D0]  }
0x240: {  	v16 =	vld [tilespmem:s4+$0x50A0]  }
0x241: {  	v18 =	vld.idx.msk [tilespmem:v3+s3+$0x0], $0xffff  }
0x242: {  	v14 =	vld [tilespmem:s4+$0x5090]  }
0x243: {  	v8 =	vld.idx.msk [tilespmem:v8+s3+$0x0], $0xffff;
	(xrf2) =	vadd.scan.msk.f32 $0xffff, v19  }
0x244: {  	v13 =	vld.idx.msk [tilespmem:v9+s3+$0x0], $0xffff  }
0x245: {  	v15 =	vld.idx.msk [tilespmem:v10+s3+$0x0], $0xffff;
	v5 =	vperm.xlane v7, v1  }
0x246: {  	v17 =	vld.idx.msk [tilespmem:v11+s3+$0x0], $0xffff;
	(xrf2) =	vadd.scan.msk.f32 $0xffff, v18  }
0x247: {  	v12 =	vperm.xlane v6, v1;
	v11 =	vld [tilespmem:s4+$0xD0E0];
	vm2 =	vne.s32 v7, v5  }
0x248: {  	v3 =	vperm.xlane v2, v1;
	v9 =	vperm.xlane v4, v1;
	v16 =	vld.idx.msk [tilespmem:v16+s3+$0x0], $0xffff;
	vm8 =	vmor vm2, vm0  }
0x249: {  	vm5 =	vne.s32 v6, v12;
	v10 =	vld [tilespmem:s4+$0xD0A0];
	(xrf2) =	vadd.scan.msk.f32 $0xffff, v8  }
0x24a: {  	v14 =	vld.idx.msk [tilespmem:v14+s3+$0x0], $0xffff;
	vm7 =	vmor vm5, vm0;
	vm1 =	vne.s32 v2, v3;
	vm4 =	vne.s32 v4, v9  }
0x24b: {  	s5 =	simm.s32 $0x500;
	s6 =	simm.s32 $0x200;
	vm3 =	vmor vm1, vm0;
	vm1 =	vmmov vm1;
	vm6 =	vmor vm4, vm0;
	v8 =	vld [tilespmem:s4+$0xD090]  }
.LBB2_14:
0x24c: {  	s5 =	sadd.s32 $0x8, s5;
	v18 =	vld [tilespmem:s4+$0xD080];
	s4 =	sshra.s32 s6, $0x2  }
0x24d: {  	v19 =	vld [tilespmem:s4+$0xD0B0];
	p0 =	slt.u32 s5, $0x5F8;
	(xrf2) =	vadd.scan.msk.f32 $0xffff, v17;
	v17, _, _ =	vpop (xrf2)  }
0x24e: {  	v20 =	vperm.xlane v10, v1;
	[tilespmem:v7+s29+$0x0] =	vst.idx.add.f32.msk vm8, v17  }
0x24f: {  	v21 =	vld [tilespmem:s4+$0xD0C0]  }
0x250: {  	v7 =	vld [tilespmem:s4+$0xD0F0];
	vm8 =	vne.s32 v10, v20;
	(xrf2) =	vadd.scan.msk.f32 $0xffff, v15;
	v15, _, _ =	vpop (xrf2)  }
0x251: {  	v22 =	vperm.xlane v11, v1;
	vm9 =	vmor vm8, vm0;
	[tilespmem:v6+s29+$0x0] =	vst.idx.add.f32.msk vm7, v15  }
0x252: {  	v15 =	vsub.f32 $0.0e+00, v15;
	v23 =	vld [tilespmem:s4+$0xD0D0];
	v6 =	vmov v19  }
0x253: {  	vm7 =	vne.s32 v11, v22;
	v19 =	vld [tilespmem:s4+$0x5080];
	(xrf2) =	vadd.scan.msk.f32 $0xffff, v16;
	v16, _, _ =	vpop (xrf2)  }
0x254: {  	vm10 =	vmor vm7, vm0;
	v24 =	vld [tilespmem:s4+$0x5090]  }
0x255: {  	v25 =	vld [tilespmem:s4+$0x50F0]  }
0x256: {  	[tilespmem:v4+s29+$0x0] =	vst.idx.add.f32.msk vm6, v16;
	(xrf2) =	vadd.scan.msk.f32 $0xffff, v13;
	v4 =	vmov v21  }
0x257: {  	v13 =	vld [tilespmem:s4+$0x50B0];
	v21, _, _ =	vpop (xrf2)  }
0x258: {  	v26 =	vld [tilespmem:s4+$0x50A0]  }
0x259: {  	v27 =	vperm.xlane v18, v1;
	[tilespmem:v12+s29+$0x0] =	vst.idx.add.f32.msk vm5, v15  }
0x25a: {  	v12 =	vsub.f32 $0.0e+00, v16;
	[tilespmem:v11+s29+$0x0] =	vst.idx.add.f32.msk vm10, v21;
	v11, _, _ =	vpop (xrf2)  }
0x25b: {  	vm5 =	vne.s32 v18, v27;
	v16 =	vld [tilespmem:s4+$0x50E0];
	(xrf2) =	vadd.scan.msk.f32 $0xffff, v14  }
0x25c: {  	vm6 =	vmor vm5, vm0;
	[tilespmem:v9+s29+$0x0] =	vst.idx.add.f32.msk vm4, v12  }
0x25d: {  	v9 =	vsub.f32 $0.0e+00, v11;
	v12 =	vld [tilespmem:s4+$0x50D0];
	v14, _, _ =	vpop (xrf2)  }
0x25e: {  	v28 =	vperm.xlane v8, v1;
	v15 =	vperm.xlane v23, v1;
	[tilespmem:v10+s29+$0x0] =	vst.idx.add.f32.msk vm9, v14;
	v29 =	vsub.f32 $0.0e+00, v14  }
0x25f: {  	v14 =	vld [tilespmem:s4+$0x50C0]  }
0x260: {  	vm4 =	vne.s32 v23, v15;
	vm9 =	vne.s32 v8, v28;
	[tilespmem:v20+s29+$0x0] =	vst.idx.add.f32.msk vm8, v29;
	v10, _, _ =	vpop (xrf2)  }
0x261: {  	v17 =	vsub.f32 $0.0e+00, v17;
	vm8 =	vmor vm9, vm0;
	[tilespmem:v2+s29+$0x0] =	vst.idx.add.f32.msk vm3, v10;
	v2 =	vmov v23  }
0x262: {  	[tilespmem:v18+s29+$0x0] =	vst.idx.add.f32.msk vm6, v11  }
0x263: {  	v11 =	vsub.f32 $0.0e+00, v21;
	[tilespmem:v5+s29+$0x0] =	vst.idx.add.f32.msk vm2, v17  }
0x264: {  	v18 =	vld.idx.msk [tilespmem:v13+s3+$0x0], $0xffff  }
0x265: {  	vm3 =	vmor vm4, vm0;
	v5 =	vperm.xlane v7, v1;
	v13 =	vld.idx.msk [tilespmem:v25+s3+$0x0], $0xffff;
	v17, _, _ =	vpop (xrf2)  }
0x266: {  	v10 =	vsub.f32 $0.0e+00, v10;
	[tilespmem:v27+s29+$0x0] =	vst.idx.add.f32.msk vm5, v9;
	v9 =	vsub.f32 $0.0e+00, v17  }
0x267: {  	vm2 =	vne.s32 v7, v5;
	[tilespmem:v8+s29+$0x0] =	vst.idx.add.f32.msk vm8, v17  }
0x268: {  	vm8 =	vmor vm2, vm0;
	[tilespmem:v28+s29+$0x0] =	vst.idx.add.f32.msk vm9, v9  }
0x269: {  	v9 =	vperm.xlane v4, v1;
	[tilespmem:v3+s29+$0x0] =	vst.idx.add.f32.msk vm1, v10;
	v3 =	vmov v15;
	vm1 =	vmmov vm4  }
0x26a: {  	[tilespmem:v22+s29+$0x0] =	vst.idx.add.f32.msk vm7, v11  }
0x26b: {  	vm4 =	vne.s32 v4, v9;
	v8 =	vld.idx.msk [tilespmem:v14+s3+$0x0], $0xffff;
	(xrf2) =	vadd.scan.msk.f32 $0xffff, v13  }
0x26c: {  	vm6 =	vmor vm4, vm0;
	v13 =	vld.idx.msk [tilespmem:v12+s3+$0x0], $0xffff  }
0x26d: {  	v12 =	vperm.xlane v6, v1;
	v15 =	vld.idx.msk [tilespmem:v19+s3+$0x0], $0xffff  }
0x26e: {  	v17 =	vld.idx.msk [tilespmem:v16+s3+$0x0], $0xffff;
	(xrf2) =	vadd.scan.msk.f32 $0xffff, v18  }
.Ltmp6:
0x26f: {  	vm5 =	vne.s32 v6, v12;
	v11 =	vld [tilespmem:s4+$0xD0E0];
	(pc) =	sbr.rel @p0 .LBB2_14-.Ltmp6, $4  }
0x270: {  	vm7 =	vmor vm5, vm0;
	v16 =	vld.idx.msk [tilespmem:v26+s3+$0x0], $0xffff  }
0x271: {  	v10 =	vld [tilespmem:s4+$0xD0A0];
	(xrf2) =	vadd.scan.msk.f32 $0xffff, v8  }
0x272: {  	v14 =	vld.idx.msk [tilespmem:v24+s3+$0x0], $0xffff  }
0x273: {  	s6 =	sadd.s32 $0x200, s6;
	v8 =	vld [tilespmem:s4+$0xD090]  }
0x274: {  	(xrf2) =	vadd.scan.msk.f32 $0xffff, v17  }
0x275: {  	(xrf2) =	vadd.scan.msk.f32 $0xffff, v15  }
0x276: {  	(xrf2) =	vadd.scan.msk.f32 $0xffff, v16  }
0x277: {  	v16 =	vperm.xlane v11, v1;
	_ =	sdelay $0x1  }
0x278: {  	v15 =	vld [tilespmem:s4+$0xD080];
	(xrf2) =	vadd.scan.msk.f32 $0xffff, v13;
	v13, _, _ =	vpop (xrf2);
	vm9 =	vne.s32 v11, v16  }
0x279: {  	[tilespmem:v7+s29+$0x0] =	vst.idx.add.f32.msk vm8, v13;
	v7, _, _ =	vpop (xrf2);
	vm10 =	vmor vm9, vm0  }
0x27a: {  	v17 =	vperm.xlane v10, v1;
	[tilespmem:v6+s29+$0x0] =	vst.idx.add.f32.msk vm7, v7;
	v6 =	vsub.f32 $0.0e+00, v7;
	_ =	sdelay $0x1  }
0x27b: {  	vm11 =	vne.s32 v10, v17;
	(xrf2) =	vadd.scan.msk.f32 $0xffff, v14;
	v14, _, _ =	vpop (xrf2)  }
0x27c: {  	vm8 =	vmor vm11, vm0;
	[tilespmem:v12+s29+$0x0] =	vst.idx.add.f32.msk vm5, v6;
	v7, _, _ =	vpop (xrf2)  }
0x27d: {  	v18 =	vperm.xlane v15, v1;
	[tilespmem:v4+s29+$0x0] =	vst.idx.add.f32.msk vm6, v14;
	v4 =	vsub.f32 $0.0e+00, v14;
	v6, _, _ =	vpop (xrf2)  }
0x27e: {  	[tilespmem:v11+s29+$0x0] =	vst.idx.add.f32.msk vm10, v7;
	v11, _, _ =	vpop (xrf2)  }
0x27f: {  	vm6 =	vne.s32 v15, v18;
	[tilespmem:v9+s29+$0x0] =	vst.idx.add.f32.msk vm4, v4;
	v4 =	vsub.f32 $0.0e+00, v11  }
0x280: {  	vm5 =	vmor vm6, vm0  }
0x281: {  	v12 =	vperm.xlane v8, v1  }
0x282: {  	[tilespmem:v10+s29+$0x0] =	vst.idx.add.f32.msk vm8, v11  }
0x283: {  	vm4 =	vne.s32 v8, v12;
	[tilespmem:v17+s29+$0x0] =	vst.idx.add.f32.msk vm11, v4;
	v4, _, _ =	vpop (xrf2)  }
0x284: {  	vm7 =	vmor vm4, vm0;
	[tilespmem:v2+s29+$0x0] =	vst.idx.add.f32.msk vm3, v4;
	v2 =	vsub.f32 $0.0e+00, v13  }
0x285: {  	v9 =	vsub.f32 $0.0e+00, v6  }
0x286: {  	[tilespmem:v15+s29+$0x0] =	vst.idx.add.f32.msk vm5, v6  }
0x287: {  	[tilespmem:v18+s29+$0x0] =	vst.idx.add.f32.msk vm6, v9;
	v4 =	vsub.f32 $0.0e+00, v4  }
0x288: {  	[tilespmem:v5+s29+$0x0] =	vst.idx.add.f32.msk vm2, v2;
	v2, _, _ =	vpop (xrf2)  }
0x289: {  	[tilespmem:v3+s29+$0x0] =	vst.idx.add.f32.msk vm1, v4;
	v5 =	vsub.f32 $0.0e+00, v2  }
0x28a: {  	[tilespmem:v8+s29+$0x0] =	vst.idx.add.f32.msk vm7, v2;
	v2 =	vsub.f32 $0.0e+00, v7  }
0x28b: {  	[tilespmem:v12+s29+$0x0] =	vst.idx.add.f32.msk vm4, v5  }
0x28c: {  	[tilespmem:v16+s29+$0x0] =	vst.idx.add.f32.msk vm9, v2  }
0x28d: {  	_ =	strace $0x90000055  }
0x28e: {  	_ =	strace $0x80000056  }
0x28f: {  	_ =	swait.ge [sflag:s23], $0x1000  }
0x290: {  	[sflag:s23] =	ssyncset.done $0x0  }
0x291: {  	[sflag:s23] =	ssyncadd.s32 $0xFFFFF000  }
0x292: {  	_ =	swait.ge [sflag:s23], $0x1000  }
0x293: {  	[sflag:s23] =	ssyncset.done $0x0  }
0x294: {  	[sflag:s23] =	ssyncadd.s32 $0xFFFFF000  }
0x295: {  	s5 =	simm.s32 $0x7080;
	s4 =	simm.s32 $0x0;
	_ =	strace $0x90000056  }
0x296: {  	[tilespmem:s5], [sflag:$0x9] =	stream.linear.gather [hbm4b:s18+s4], $0x1000, $0x38;
	[tilespmem:$0x14080] =	vst v63  }
0x297: {  	s6 =	simm.s32 $0xF080  }
0x298: {  	[tilespmem:s6], [sflag:$0x9] =	stream.linear.gather [hbm4b:s19+s4], $0x1000, $0x38;
	[tilespmem:$0x14080] =	vst v63  }
0x299: {  	s4 =	simm.s32 $0x0;
	_ =	strace $0x80000057  }
0x29a: {  	v6 =	vld [tilespmem:s4+$0xE0B0]  }
0x29b: {  	v5 =	vld [tilespmem:s4+$0x60F0]  }
0x29c: {  	v4 =	vld [tilespmem:s4+$0xE0C0]  }
0x29d: {  	v7 =	vld [tilespmem:s4+$0xE0F0]  }
0x29e: {  	v3 =	vld [tilespmem:s4+$0x60B0]  }
0x29f: {  	v8 =	vld [tilespmem:s4+$0x60C0]  }
0x2a0: {  	v9 =	vld [tilespmem:s4+$0x60D0]  }
0x2a1: {  	v10 =	vld [tilespmem:s4+$0x6080]  }
0x2a2: {  	v11 =	vld [tilespmem:s4+$0x60E0]  }
0x2a3: {  	v19 =	vld.idx.msk [tilespmem:v5+s3+$0x0], $0xffff  }
0x2a4: {  	v2 =	vld [tilespmem:s4+$0xE0D0]  }
0x2a5: {  	v16 =	vld [tilespmem:s4+$0x60A0]  }
0x2a6: {  	v18 =	vld.idx.msk [tilespmem:v3+s3+$0x0], $0xffff  }
0x2a7: {  	v14 =	vld [tilespmem:s4+$0x6090]  }
0x2a8: {  	v8 =	vld.idx.msk [tilespmem:v8+s3+$0x0], $0xffff;
	(xrf2) =	vadd.scan.msk.f32 $0xffff, v19  }
0x2a9: {  	v13 =	vld.idx.msk [tilespmem:v9+s3+$0x0], $0xffff  }
0x2aa: {  	v15 =	vld.idx.msk [tilespmem:v10+s3+$0x0], $0xffff;
	v5 =	vperm.xlane v7, v1  }
0x2ab: {  	v17 =	vld.idx.msk [tilespmem:v11+s3+$0x0], $0xffff;
	(xrf2) =	vadd.scan.msk.f32 $0xffff, v18  }
0x2ac: {  	v12 =	vperm.xlane v6, v1;
	v11 =	vld [tilespmem:s4+$0xE0E0];
	vm2 =	vne.s32 v7, v5  }
0x2ad: {  	v3 =	vperm.xlane v2, v1;
	v9 =	vperm.xlane v4, v1;
	v16 =	vld.idx.msk [tilespmem:v16+s3+$0x0], $0xffff;
	vm8 =	vmor vm2, vm0  }
0x2ae: {  	vm5 =	vne.s32 v6, v12;
	v10 =	vld [tilespmem:s4+$0xE0A0];
	(xrf2) =	vadd.scan.msk.f32 $0xffff, v8  }
0x2af: {  	v14 =	vld.idx.msk [tilespmem:v14+s3+$0x0], $0xffff;
	vm7 =	vmor vm5, vm0;
	vm1 =	vne.s32 v2, v3;
	vm4 =	vne.s32 v4, v9  }
0x2b0: {  	s5 =	simm.s32 $0x600;
	s6 =	simm.s32 $0x200;
	vm3 =	vmor vm1, vm0;
	vm1 =	vmmov vm1;
	vm6 =	vmor vm4, vm0;
	v8 =	vld [tilespmem:s4+$0xE090]  }
.LBB2_16:
0x2b1: {  	s5 =	sadd.s32 $0x8, s5;
	v18 =	vld [tilespmem:s4+$0xE080];
	s4 =	sshra.s32 s6, $0x2  }
0x2b2: {  	v19 =	vld [tilespmem:s4+$0xE0B0];
	p0 =	slt.u32 s5, $0x6F8;
	(xrf2) =	vadd.scan.msk.f32 $0xffff, v17;
	v17, _, _ =	vpop (xrf2)  }
0x2b3: {  	v20 =	vperm.xlane v10, v1;
	[tilespmem:v7+s29+$0x0] =	vst.idx.add.f32.msk vm8, v17  }
0x2b4: {  	v21 =	vld [tilespmem:s4+$0xE0C0]  }
0x2b5: {  	v7 =	vld [tilespmem:s4+$0xE0F0];
	vm8 =	vne.s32 v10, v20;
	(xrf2) =	vadd.scan.msk.f32 $0xffff, v15;
	v15, _, _ =	vpop (xrf2)  }
0x2b6: {  	v22 =	vperm.xlane v11, v1;
	vm9 =	vmor vm8, vm0;
	[tilespmem:v6+s29+$0x0] =	vst.idx.add.f32.msk vm7, v15  }
0x2b7: {  	v15 =	vsub.f32 $0.0e+00, v15;
	v23 =	vld [tilespmem:s4+$0xE0D0];
	v6 =	vmov v19  }
0x2b8: {  	vm7 =	vne.s32 v11, v22;
	v19 =	vld [tilespmem:s4+$0x6080];
	(xrf2) =	vadd.scan.msk.f32 $0xffff, v16;
	v16, _, _ =	vpop (xrf2)  }
0x2b9: {  	vm10 =	vmor vm7, vm0;
	v24 =	vld [tilespmem:s4+$0x6090]  }
0x2ba: {  	v25 =	vld [tilespmem:s4+$0x60F0]  }
0x2bb: {  	[tilespmem:v4+s29+$0x0] =	vst.idx.add.f32.msk vm6, v16;
	(xrf2) =	vadd.scan.msk.f32 $0xffff, v13;
	v4 =	vmov v21  }
0x2bc: {  	v13 =	vld [tilespmem:s4+$0x60B0];
	v21, _, _ =	vpop (xrf2)  }
0x2bd: {  	v26 =	vld [tilespmem:s4+$0x60A0]  }
0x2be: {  	v27 =	vperm.xlane v18, v1;
	[tilespmem:v12+s29+$0x0] =	vst.idx.add.f32.msk vm5, v15  }
0x2bf: {  	v12 =	vsub.f32 $0.0e+00, v16;
	[tilespmem:v11+s29+$0x0] =	vst.idx.add.f32.msk vm10, v21;
	v11, _, _ =	vpop (xrf2)  }
0x2c0: {  	vm5 =	vne.s32 v18, v27;
	v16 =	vld [tilespmem:s4+$0x60E0];
	(xrf2) =	vadd.scan.msk.f32 $0xffff, v14  }
0x2c1: {  	vm6 =	vmor vm5, vm0;
	[tilespmem:v9+s29+$0x0] =	vst.idx.add.f32.msk vm4, v12  }
0x2c2: {  	v9 =	vsub.f32 $0.0e+00, v11;
	v12 =	vld [tilespmem:s4+$0x60D0];
	v14, _, _ =	vpop (xrf2)  }
0x2c3: {  	v28 =	vperm.xlane v8, v1;
	v15 =	vperm.xlane v23, v1;
	[tilespmem:v10+s29+$0x0] =	vst.idx.add.f32.msk vm9, v14;
	v29 =	vsub.f32 $0.0e+00, v14  }
0x2c4: {  	v14 =	vld [tilespmem:s4+$0x60C0]  }
0x2c5: {  	vm4 =	vne.s32 v23, v15;
	vm9 =	vne.s32 v8, v28;
	[tilespmem:v20+s29+$0x0] =	vst.idx.add.f32.msk vm8, v29;
	v10, _, _ =	vpop (xrf2)  }
0x2c6: {  	v17 =	vsub.f32 $0.0e+00, v17;
	vm8 =	vmor vm9, vm0;
	[tilespmem:v2+s29+$0x0] =	vst.idx.add.f32.msk vm3, v10;
	v2 =	vmov v23  }
0x2c7: {  	[tilespmem:v18+s29+$0x0] =	vst.idx.add.f32.msk vm6, v11  }
0x2c8: {  	v11 =	vsub.f32 $0.0e+00, v21;
	[tilespmem:v5+s29+$0x0] =	vst.idx.add.f32.msk vm2, v17  }
0x2c9: {  	v18 =	vld.idx.msk [tilespmem:v13+s3+$0x0], $0xffff  }
0x2ca: {  	vm3 =	vmor vm4, vm0;
	v5 =	vperm.xlane v7, v1;
	v13 =	vld.idx.msk [tilespmem:v25+s3+$0x0], $0xffff;
	v17, _, _ =	vpop (xrf2)  }
0x2cb: {  	v10 =	vsub.f32 $0.0e+00, v10;
	[tilespmem:v27+s29+$0x0] =	vst.idx.add.f32.msk vm5, v9;
	v9 =	vsub.f32 $0.0e+00, v17  }
0x2cc: {  	vm2 =	vne.s32 v7, v5;
	[tilespmem:v8+s29+$0x0] =	vst.idx.add.f32.msk vm8, v17  }
0x2cd: {  	vm8 =	vmor vm2, vm0;
	[tilespmem:v28+s29+$0x0] =	vst.idx.add.f32.msk vm9, v9  }
0x2ce: {  	v9 =	vperm.xlane v4, v1;
	[tilespmem:v3+s29+$0x0] =	vst.idx.add.f32.msk vm1, v10;
	v3 =	vmov v15;
	vm1 =	vmmov vm4  }
0x2cf: {  	[tilespmem:v22+s29+$0x0] =	vst.idx.add.f32.msk vm7, v11  }
0x2d0: {  	vm4 =	vne.s32 v4, v9;
	v8 =	vld.idx.msk [tilespmem:v14+s3+$0x0], $0xffff;
	(xrf2) =	vadd.scan.msk.f32 $0xffff, v13  }
0x2d1: {  	vm6 =	vmor vm4, vm0;
	v13 =	vld.idx.msk [tilespmem:v12+s3+$0x0], $0xffff  }
0x2d2: {  	v12 =	vperm.xlane v6, v1;
	v15 =	vld.idx.msk [tilespmem:v19+s3+$0x0], $0xffff  }
0x2d3: {  	v17 =	vld.idx.msk [tilespmem:v16+s3+$0x0], $0xffff;
	(xrf2) =	vadd.scan.msk.f32 $0xffff, v18  }
.Ltmp7:
0x2d4: {  	vm5 =	vne.s32 v6, v12;
	v11 =	vld [tilespmem:s4+$0xE0E0];
	(pc) =	sbr.rel @p0 .LBB2_16-.Ltmp7, $4  }
0x2d5: {  	vm7 =	vmor vm5, vm0;
	v16 =	vld.idx.msk [tilespmem:v26+s3+$0x0], $0xffff  }
0x2d6: {  	v10 =	vld [tilespmem:s4+$0xE0A0];
	(xrf2) =	vadd.scan.msk.f32 $0xffff, v8  }
0x2d7: {  	v14 =	vld.idx.msk [tilespmem:v24+s3+$0x0], $0xffff  }
0x2d8: {  	s6 =	sadd.s32 $0x200, s6;
	v8 =	vld [tilespmem:s4+$0xE090]  }
0x2d9: {  	(xrf2) =	vadd.scan.msk.f32 $0xffff, v17  }
0x2da: {  	(xrf2) =	vadd.scan.msk.f32 $0xffff, v15  }
0x2db: {  	(xrf2) =	vadd.scan.msk.f32 $0xffff, v16  }
0x2dc: {  	v16 =	vperm.xlane v11, v1;
	_ =	sdelay $0x1  }
0x2dd: {  	v15 =	vld [tilespmem:s4+$0xE080];
	(xrf2) =	vadd.scan.msk.f32 $0xffff, v13;
	v13, _, _ =	vpop (xrf2);
	vm9 =	vne.s32 v11, v16  }
0x2de: {  	[tilespmem:v7+s29+$0x0] =	vst.idx.add.f32.msk vm8, v13;
	v7, _, _ =	vpop (xrf2);
	vm10 =	vmor vm9, vm0  }
0x2df: {  	v17 =	vperm.xlane v10, v1;
	[tilespmem:v6+s29+$0x0] =	vst.idx.add.f32.msk vm7, v7;
	v6 =	vsub.f32 $0.0e+00, v7;
	_ =	sdelay $0x1  }
0x2e0: {  	vm11 =	vne.s32 v10, v17;
	(xrf2) =	vadd.scan.msk.f32 $0xffff, v14;
	v14, _, _ =	vpop (xrf2)  }
0x2e1: {  	vm8 =	vmor vm11, vm0;
	[tilespmem:v12+s29+$0x0] =	vst.idx.add.f32.msk vm5, v6;
	v7, _, _ =	vpop (xrf2)  }
0x2e2: {  	v18 =	vperm.xlane v15, v1;
	[tilespmem:v4+s29+$0x0] =	vst.idx.add.f32.msk vm6, v14;
	v4 =	vsub.f32 $0.0e+00, v14;
	v6, _, _ =	vpop (xrf2)  }
0x2e3: {  	[tilespmem:v11+s29+$0x0] =	vst.idx.add.f32.msk vm10, v7;
	v11, _, _ =	vpop (xrf2)  }
0x2e4: {  	vm6 =	vne.s32 v15, v18;
	[tilespmem:v9+s29+$0x0] =	vst.idx.add.f32.msk vm4, v4;
	v4 =	vsub.f32 $0.0e+00, v11  }
0x2e5: {  	vm5 =	vmor vm6, vm0  }
0x2e6: {  	v12 =	vperm.xlane v8, v1  }
0x2e7: {  	[tilespmem:v10+s29+$0x0] =	vst.idx.add.f32.msk vm8, v11  }
0x2e8: {  	vm4 =	vne.s32 v8, v12;
	[tilespmem:v17+s29+$0x0] =	vst.idx.add.f32.msk vm11, v4;
	v4, _, _ =	vpop (xrf2)  }
0x2e9: {  	vm7 =	vmor vm4, vm0;
	[tilespmem:v2+s29+$0x0] =	vst.idx.add.f32.msk vm3, v4;
	v2 =	vsub.f32 $0.0e+00, v13  }
0x2ea: {  	v9 =	vsub.f32 $0.0e+00, v6  }
0x2eb: {  	[tilespmem:v15+s29+$0x0] =	vst.idx.add.f32.msk vm5, v6  }
0x2ec: {  	[tilespmem:v18+s29+$0x0] =	vst.idx.add.f32.msk vm6, v9;
	v4 =	vsub.f32 $0.0e+00, v4  }
0x2ed: {  	[tilespmem:v5+s29+$0x0] =	vst.idx.add.f32.msk vm2, v2;
	v2, _, _ =	vpop (xrf2)  }
0x2ee: {  	[tilespmem:v3+s29+$0x0] =	vst.idx.add.f32.msk vm1, v4;
	v5 =	vsub.f32 $0.0e+00, v2  }
0x2ef: {  	[tilespmem:v8+s29+$0x0] =	vst.idx.add.f32.msk vm7, v2;
	v2 =	vsub.f32 $0.0e+00, v7  }
0x2f0: {  	[tilespmem:v12+s29+$0x0] =	vst.idx.add.f32.msk vm4, v5  }
0x2f1: {  	[tilespmem:v16+s29+$0x0] =	vst.idx.add.f32.msk vm9, v2  }
0x2f2: {  	_ =	strace $0x90000057  }
0x2f3: {  	_ =	strace $0x80000058  }
0x2f4: {  	_ =	swait.ge [sflag:s31], $0x1000  }
0x2f5: {  	[sflag:s31] =	ssyncset.done $0x0  }
0x2f6: {  	[sflag:s31] =	ssyncadd.s32 $0xFFFFF000  }
0x2f7: {  	_ =	swait.ge [sflag:s31], $0x1000  }
0x2f8: {  	[sflag:s31] =	ssyncset.done $0x0  }
0x2f9: {  	[sflag:s31] =	ssyncadd.s32 $0xFFFFF000  }
0x2fa: {  	_ =	strace $0x90000058  }
0x2fb: {  	s4 =	simm.s32 $0x0;
	_ =	strace $0x80000059  }
0x2fc: {  	v6 =	vld [tilespmem:s4+$0xF0B0]  }
0x2fd: {  	v5 =	vld [tilespmem:s4+$0x70F0]  }
0x2fe: {  	v4 =	vld [tilespmem:s4+$0xF0C0]  }
0x2ff: {  	v7 =	vld [tilespmem:s4+$0xF0F0]  }
0x300: {  	v3 =	vld [tilespmem:s4+$0x70B0]  }
0x301: {  	v8 =	vld [tilespmem:s4+$0x70C0]  }
0x302: {  	v9 =	vld [tilespmem:s4+$0x70D0]  }
0x303: {  	v10 =	vld [tilespmem:s4+$0x7080]  }
0x304: {  	v11 =	vld [tilespmem:s4+$0x70E0]  }
0x305: {  	v19 =	vld.idx.msk [tilespmem:v5+s3+$0x0], $0xffff  }
0x306: {  	v2 =	vld [tilespmem:s4+$0xF0D0]  }
0x307: {  	v16 =	vld [tilespmem:s4+$0x70A0]  }
0x308: {  	v18 =	vld.idx.msk [tilespmem:v3+s3+$0x0], $0xffff  }
0x309: {  	v14 =	vld [tilespmem:s4+$0x7090]  }
0x30a: {  	v8 =	vld.idx.msk [tilespmem:v8+s3+$0x0], $0xffff;
	(xrf2) =	vadd.scan.msk.f32 $0xffff, v19  }
0x30b: {  	v13 =	vld.idx.msk [tilespmem:v9+s3+$0x0], $0xffff  }
0x30c: {  	v15 =	vld.idx.msk [tilespmem:v10+s3+$0x0], $0xffff;
	v5 =	vperm.xlane v7, v1  }
0x30d: {  	v17 =	vld.idx.msk [tilespmem:v11+s3+$0x0], $0xffff;
	(xrf2) =	vadd.scan.msk.f32 $0xffff, v18  }
0x30e: {  	v12 =	vperm.xlane v6, v1;
	v11 =	vld [tilespmem:s4+$0xF0E0];
	vm2 =	vne.s32 v7, v5  }
0x30f: {  	v3 =	vperm.xlane v2, v1;
	v9 =	vperm.xlane v4, v1;
	v16 =	vld.idx.msk [tilespmem:v16+s3+$0x0], $0xffff;
	vm8 =	vmor vm2, vm0  }
0x310: {  	vm5 =	vne.s32 v6, v12;
	v10 =	vld [tilespmem:s4+$0xF0A0];
	(xrf2) =	vadd.scan.msk.f32 $0xffff, v8  }
0x311: {  	v14 =	vld.idx.msk [tilespmem:v14+s3+$0x0], $0xffff;
	vm7 =	vmor vm5, vm0;
	vm1 =	vne.s32 v2, v3;
	vm4 =	vne.s32 v4, v9  }
0x312: {  	s5 =	simm.s32 $0x700;
	s6 =	simm.s32 $0x200;
	vm3 =	vmor vm1, vm0;
	vm1 =	vmmov vm1;
	vm6 =	vmor vm4, vm0;
	v8 =	vld [tilespmem:s4+$0xF090]  }
.LBB2_18:
0x313: {  	s5 =	sadd.s32 $0x8, s5;
	v18 =	vld [tilespmem:s4+$0xF080];
	s4 =	sshra.s32 s6, $0x2  }
0x314: {  	v19 =	vld [tilespmem:s4+$0xF0B0];
	p0 =	slt.u32 s5, $0x7F8;
	(xrf2) =	vadd.scan.msk.f32 $0xffff, v17;
	v17, _, _ =	vpop (xrf2)  }
0x315: {  	v20 =	vperm.xlane v10, v1;
	[tilespmem:v7+s29+$0x0] =	vst.idx.add.f32.msk vm8, v17  }
0x316: {  	v21 =	vld [tilespmem:s4+$0xF0C0]  }
0x317: {  	v7 =	vld [tilespmem:s4+$0xF0F0];
	vm8 =	vne.s32 v10, v20;
	(xrf2) =	vadd.scan.msk.f32 $0xffff, v15;
	v15, _, _ =	vpop (xrf2)  }
0x318: {  	v22 =	vperm.xlane v11, v1;
	vm9 =	vmor vm8, vm0;
	[tilespmem:v6+s29+$0x0] =	vst.idx.add.f32.msk vm7, v15  }
0x319: {  	v15 =	vsub.f32 $0.0e+00, v15;
	v23 =	vld [tilespmem:s4+$0xF0D0];
	v6 =	vmov v19  }
0x31a: {  	vm7 =	vne.s32 v11, v22;
	v19 =	vld [tilespmem:s4+$0x7080];
	(xrf2) =	vadd.scan.msk.f32 $0xffff, v16;
	v16, _, _ =	vpop (xrf2)  }
0x31b: {  	vm10 =	vmor vm7, vm0;
	v24 =	vld [tilespmem:s4+$0x7090]  }
0x31c: {  	v25 =	vld [tilespmem:s4+$0x70F0]  }
0x31d: {  	[tilespmem:v4+s29+$0x0] =	vst.idx.add.f32.msk vm6, v16;
	(xrf2) =	vadd.scan.msk.f32 $0xffff, v13;
	v4 =	vmov v21  }
0x31e: {  	v13 =	vld [tilespmem:s4+$0x70B0];
	v21, _, _ =	vpop (xrf2)  }
0x31f: {  	v26 =	vld [tilespmem:s4+$0x70A0]  }
0x320: {  	v27 =	vperm.xlane v18, v1;
	[tilespmem:v12+s29+$0x0] =	vst.idx.add.f32.msk vm5, v15  }
0x321: {  	v12 =	vsub.f32 $0.0e+00, v16;
	[tilespmem:v11+s29+$0x0] =	vst.idx.add.f32.msk vm10, v21;
	v11, _, _ =	vpop (xrf2)  }
0x322: {  	vm5 =	vne.s32 v18, v27;
	v16 =	vld [tilespmem:s4+$0x70E0];
	(xrf2) =	vadd.scan.msk.f32 $0xffff, v14  }
0x323: {  	vm6 =	vmor vm5, vm0;
	[tilespmem:v9+s29+$0x0] =	vst.idx.add.f32.msk vm4, v12  }
0x324: {  	v9 =	vsub.f32 $0.0e+00, v11;
	v12 =	vld [tilespmem:s4+$0x70D0];
	v14, _, _ =	vpop (xrf2)  }
0x325: {  	v28 =	vperm.xlane v8, v1;
	v15 =	vperm.xlane v23, v1;
	[tilespmem:v10+s29+$0x0] =	vst.idx.add.f32.msk vm9, v14;
	v29 =	vsub.f32 $0.0e+00, v14  }
0x326: {  	v14 =	vld [tilespmem:s4+$0x70C0]  }
0x327: {  	vm4 =	vne.s32 v23, v15;
	vm9 =	vne.s32 v8, v28;
	[tilespmem:v20+s29+$0x0] =	vst.idx.add.f32.msk vm8, v29;
	v10, _, _ =	vpop (xrf2)  }
0x328: {  	v17 =	vsub.f32 $0.0e+00, v17;
	vm8 =	vmor vm9, vm0;
	[tilespmem:v2+s29+$0x0] =	vst.idx.add.f32.msk vm3, v10;
	v2 =	vmov v23  }
0x329: {  	[tilespmem:v18+s29+$0x0] =	vst.idx.add.f32.msk vm6, v11  }
0x32a: {  	v11 =	vsub.f32 $0.0e+00, v21;
	[tilespmem:v5+s29+$0x0] =	vst.idx.add.f32.msk vm2, v17  }
0x32b: {  	v18 =	vld.idx.msk [tilespmem:v13+s3+$0x0], $0xffff  }
0x32c: {  	vm3 =	vmor vm4, vm0;
	v5 =	vperm.xlane v7, v1;
	v13 =	vld.idx.msk [tilespmem:v25+s3+$0x0], $0xffff;
	v17, _, _ =	vpop (xrf2)  }
0x32d: {  	v10 =	vsub.f32 $0.0e+00, v10;
	[tilespmem:v27+s29+$0x0] =	vst.idx.add.f32.msk vm5, v9;
	v9 =	vsub.f32 $0.0e+00, v17  }
0x32e: {  	vm2 =	vne.s32 v7, v5;
	[tilespmem:v8+s29+$0x0] =	vst.idx.add.f32.msk vm8, v17  }
0x32f: {  	vm8 =	vmor vm2, vm0;
	[tilespmem:v28+s29+$0x0] =	vst.idx.add.f32.msk vm9, v9  }
0x330: {  	v9 =	vperm.xlane v4, v1;
	[tilespmem:v3+s29+$0x0] =	vst.idx.add.f32.msk vm1, v10;
	v3 =	vmov v15;
	vm1 =	vmmov vm4  }
0x331: {  	[tilespmem:v22+s29+$0x0] =	vst.idx.add.f32.msk vm7, v11  }
0x332: {  	vm4 =	vne.s32 v4, v9;
	v8 =	vld.idx.msk [tilespmem:v14+s3+$0x0], $0xffff;
	(xrf2) =	vadd.scan.msk.f32 $0xffff, v13  }
0x333: {  	vm6 =	vmor vm4, vm0;
	v13 =	vld.idx.msk [tilespmem:v12+s3+$0x0], $0xffff  }
0x334: {  	v12 =	vperm.xlane v6, v1;
	v15 =	vld.idx.msk [tilespmem:v19+s3+$0x0], $0xffff  }
0x335: {  	v17 =	vld.idx.msk [tilespmem:v16+s3+$0x0], $0xffff;
	(xrf2) =	vadd.scan.msk.f32 $0xffff, v18  }
.Ltmp8:
0x336: {  	vm5 =	vne.s32 v6, v12;
	v11 =	vld [tilespmem:s4+$0xF0E0];
	(pc) =	sbr.rel @p0 .LBB2_18-.Ltmp8, $4  }
0x337: {  	vm7 =	vmor vm5, vm0;
	v16 =	vld.idx.msk [tilespmem:v26+s3+$0x0], $0xffff  }
0x338: {  	v10 =	vld [tilespmem:s4+$0xF0A0];
	(xrf2) =	vadd.scan.msk.f32 $0xffff, v8  }
0x339: {  	v14 =	vld.idx.msk [tilespmem:v24+s3+$0x0], $0xffff  }
0x33a: {  	s6 =	sadd.s32 $0x200, s6;
	v8 =	vld [tilespmem:s4+$0xF090]  }
0x33b: {  	(xrf2) =	vadd.scan.msk.f32 $0xffff, v17  }
0x33c: {  	v48 =	vld [tilespmem:s4+$0xF080];
	(xrf2) =	vadd.scan.msk.f32 $0xffff, v15  }
0x33d: {  	(xrf2) =	vadd.scan.msk.f32 $0xffff, v16  }
0x33e: {  	v49 =	vperm.xlane v11, v1;
	(xrf2) =	vadd.scan.msk.f32 $0xffff, v13  }
0x33f: {  	v50 =	vperm.xlane v10, v1  }
0x340: {  	v51, _, _ =	vpop (xrf2);
	vm9 =	vne.s32 v11, v49  }
0x341: {  	vm10 =	vmor vm9, vm0;
	vm11 =	vne.s32 v10, v50;
	v52, _, _ =	vpop (xrf2);
	v18 =	vperm.xlane v48, v1  }
0x342: {  	[tilespmem:v7+s29+$0x0] =	vst.idx.add.f32.msk vm8, v51;
	vm15 =	vmor vm11, vm0;
	v54 =	vsub.f32 $0.0e+00, v52  }
0x343: {  	(xrf2) =	vadd.scan.msk.f32 $0xffff, v14;
	[tilespmem:v6+s29+$0x0] =	vst.idx.add.f32.msk vm7, v52;
	v53, _, _ =	vpop (xrf2);
	vm12 =	vne.s32 v48, v18  }
0x344: {  	[tilespmem:v12+s29+$0x0] =	vst.idx.add.f32.msk vm5, v54;
	v56 =	vsub.f32 $0.0e+00, v53;
	vm13 =	vmor vm12, vm0  }
0x345: {  	[tilespmem:v4+s29+$0x0] =	vst.idx.add.f32.msk vm6, v53;
	v55, _, _ =	vpop (xrf2)  }
0x346: {  	v58 =	vperm.xlane v8, v1;
	[tilespmem:v9+s29+$0x0] =	vst.idx.add.f32.msk vm4, v56;
	v57, _, _ =	vpop (xrf2)  }
0x347: {  	[tilespmem:v11+s29+$0x0] =	vst.idx.add.f32.msk vm10, v55;
	v59, _, _ =	vpop (xrf2)  }
0x348: {  	vm14 =	vne.s32 v8, v58;
	[tilespmem:v10+s29+$0x0] =	vst.idx.add.f32.msk vm15, v59;
	v61, _, _ =	vpop (xrf2)  }
0x349: {  	v60 =	vsub.f32 $0.0e+00, v59;
	vm15 =	vmor vm14, vm0;
	[tilespmem:v2+s29+$0x0] =	vst.idx.add.f32.msk vm3, v61;
	v2 =	vsub.f32 $0.0e+00, v51  }
0x34a: {  	v62 =	vsub.f32 $0.0e+00, v57;
	[tilespmem:v48+s29+$0x0] =	vst.idx.add.f32.msk vm13, v57  }
0x34b: {  	[tilespmem:v50+s29+$0x0] =	vst.idx.add.f32.msk vm11, v60  }
0x34c: {  	v4 =	vsub.f32 $0.0e+00, v61;
	[tilespmem:v18+s29+$0x0] =	vst.idx.add.f32.msk vm12, v62  }
0x34d: {  	[tilespmem:v5+s29+$0x0] =	vst.idx.add.f32.msk vm2, v2;
	v2, _, _ =	vpop (xrf2)  }
0x34e: {  	[tilespmem:v3+s29+$0x0] =	vst.idx.add.f32.msk vm1, v4;
	v63 =	vsub.f32 $0.0e+00, v2  }
0x34f: {  	[tilespmem:v8+s29+$0x0] =	vst.idx.add.f32.msk vm15, v2;
	v2 =	vsub.f32 $0.0e+00, v55  }
0x350: {  	[tilespmem:v58+s29+$0x0] =	vst.idx.add.f32.msk vm14, v63  }
0x351: {  	[tilespmem:v49+s29+$0x0] =	vst.idx.add.f32.msk vm9, v2  }
0x352: {  	s5 =	simm.s32 $0x80;
	s22 =	sadd.s32 $0x1, s22;
	_ =	strace $0x90000059  }
0x353: {  	s6 =	simm.s32 $0x400;
	p0 =	sne.s32 s22, s21;
	_ =	strace $0x8000005A  }
0x354: {  	[hbm4b:s20+s5] =	stream.strided.scatter [tilespmem:s29], [sflag:$0xA], $0x4000, s6, s5, $0x200038;
	[tilespmem:$0x14080] =	vst v63  }
.Ltmp9:
0x355: {  	_ = 	snop;
	(pc) =	sbr.rel @p0 .LBB2_1-.Ltmp9, $4  }
0x356: {  	_ =	swait.ge [sflag:s1], $0x4000  }
0x357: {  	[sflag:s1] =	ssyncset.done $0x0  }
0x358: {  	[sflag:s1] =	ssyncadd.s32 $0xFFFFC000  }
0x359: {  	_ =	strace $0x9000005A  }
0x35a: {  	_ =	sfence.sel $0x180000  }
0x35b: {  	[bflag:$0x0] =	sbarrier.arrive $0xFFFF  }
0x35c: {  	_ =	strace $0x90000047  }
0x35d: {  	s0 =	stileid.u32;
	[bflag:$0x2] =	sbarrier.arrive $0xFFFF  }
0x35e: {  	p0 =	sne.s32 s0, $0x0;
	s0 =	rddreg [dreg:$0x4]  }
0x35f: {  	s0 =	sadd.s32 @!p0 $0x100000, s0  }
0x360: {  	[sflag:s0] =	ssyncadd.tile.s32 @!p0 $0x1;
	_ =	shalt  }
.Lfunc_end2:
_tile_overlayer_lowered:
.L_overlay_start_2:
0x361: {  	(tag) =	ssettag $0x2  }
0x362: {  	s0 =	rddreg [dreg:$0x0];
	s2 =	stileid.u32  }
0x363: {  	s1 =	rddreg [dreg:$0x1];
	p0 =	sne.s32 s2, $0x0  }
0x364: {  	s3 =	rddreg [dreg:$0x2];
	[bflag:$0x3] =	sbarrier.arrive $0xFFFF;
	s2 =	simm.s32 @!p0 $0x1C0A  }
0x365: {  	[timem:s3], [sflag:s2] =	dma.local @!p0 [hbm:s0], s1  }
0x366: {  	s0 =	simm.s32 @!p0 $0xA  }
0x367: {  	_ =	swait.ge @!p0 [sflag:s0], s1  }
0x368: {  	s1 =	ssub.s32 @!p0 $0x0, s1;
	[sflag:s0] =	ssyncset.done @!p0 $0x0  }
0x369: {  	[sflag:s0] =	ssyncadd.s32 @!p0 s1  }
0x36a: {  	[bflag:$0x3] =	sbarrier.arrive $0xFFFF  }
0x36b: {  	_ =	shalt  }

</sc_bundles>
